<compile_context>
chip_gen: v7x
topology: tpu7x:2x2x1
jax: 0.10.2.dev20260603
libtpu: 0.0.44.dev20260713+nightly
codegen_flags: <defaults>
</compile_context>

<pallas_src>
import functools

import jax
import jax.numpy as jnp
from jax import lax
from jax.experimental import pallas as pl
from jax.experimental.pallas import tpu as pltpu
from jax.experimental.pallas import tpu_sc as plsc

_H = 14
_F = 64
_FO = _F + _H - 1
_CHUNK = 256

_GATHER_DNUMS = lax.GatherDimensionNumbers(
    offset_dims=(), collapsed_slice_dims=(0,), start_index_map=(0,))


def _gather16(v, idx):
    return lax.gather(v, idx[:, None], _GATHER_DNUMS, slice_sizes=(1,),
                      mode=lax.GatherScatterMode.PROMISE_IN_BOUNDS)


def _make_row_body(in_v, out_v, lane, lane_f, cidx):
    def row_body(r, carry):
        v0 = in_v[r, pl.ds(0, 16)]
        a = in_v[r, pl.ds(3, 16)]
        b = in_v[r, pl.ds(19, 16)]
        c = in_v[r, pl.ds(35, 16)]
        d = in_v[r, pl.ds(48, 16)]
        t = _gather16(v0, cidx)
        oh = jnp.where(t == lane_f,
                       jnp.asarray(1.0, jnp.float32),
                       jnp.asarray(0.0, jnp.float32))
        w0 = jnp.where(lane < _H, oh, t)
        out_v[r, pl.ds(0, 16)] = w0
        out_v[r, pl.ds(16, 16)] = a
        out_v[r, pl.ds(32, 16)] = b
        out_v[r, pl.ds(48, 16)] = c
        out_v[r, pl.ds(61, 16)] = d
        return carry

    return row_body


def _make_sc_kernel(rows):
    info = plsc.get_sparse_core_info()
    nc, ns = info.num_cores, info.num_subcores
    nw = nc * ns
    rows_per_w = rows // nw
    n_pairs = rows_per_w // (2 * _CHUNK)
    mesh = plsc.VectorSubcoreMesh(core_axis_name="c", subcore_axis_name="s")

    @functools.partial(
        pl.kernel,
        mesh=mesh,
        out_type=jax.ShapeDtypeStruct((rows, _FO), jnp.float32),
        scratch_types=[
            pltpu.VMEM((_CHUNK, _F), jnp.float32),
            pltpu.VMEM((_CHUNK, _F), jnp.float32),
            pltpu.VMEM((_CHUNK, _FO), jnp.float32),
            pltpu.VMEM((_CHUNK, _FO), jnp.float32),
            pltpu.SemaphoreType.DMA,
            pltpu.SemaphoreType.DMA,
            pltpu.SemaphoreType.DMA,
            pltpu.SemaphoreType.DMA,
        ],
    )
    def sc_kernel(in_hbm, out_hbm, in_v0, in_v1, out_v0, out_v1,
                  si0, si1, so0, so1):
        wid = lax.axis_index("s") * nc + lax.axis_index("c")
        w_base = wid * rows_per_w

        lane = lax.broadcasted_iota(jnp.int32, (16,), 0)
        lane_f = (((lane + 15) % 16) + 1).astype(jnp.float32)
        cidx = jnp.where(lane < _H, 0, lane - (_H - 1))

        pltpu.async_copy(in_hbm.at[pl.ds(w_base, _CHUNK)], in_v0, si0)

        def phase(p, c, in_v, out_v, si, si_next, so, in_v_next):
            base = w_base + c * _CHUNK
            pltpu.make_async_copy(
                in_hbm.at[pl.ds(base, _CHUNK)], in_v, si).wait()
            @pl.when(c + 1 < 2 * n_pairs)
            def _():
                pltpu.async_copy(
                    in_hbm.at[pl.ds(base + _CHUNK, _CHUNK)], in_v_next,
                    si_next)
            @pl.when(p > 0)
            def _():
                pltpu.make_async_copy(
                    out_v, out_hbm.at[pl.ds(base, _CHUNK)], so).wait()
            plsc.parallel_loop(0, _CHUNK, 1, unroll=16, carry=jnp.int32(0))(
                _make_row_body(in_v, out_v, lane, lane_f, cidx))
            pltpu.async_copy(out_v, out_hbm.at[pl.ds(base, _CHUNK)], so)

        def pair_body(p, _):
            phase(p, 2 * p, in_v0, out_v0, si0, si1, so0, in_v1)
            phase(p, 2 * p + 1, in_v1, out_v1, si1, si0, so1, in_v0)
            return 0

        lax.fori_loop(0, n_pairs, pair_body, 0)
        pltpu.make_async_copy(
            out_v0, out_hbm.at[pl.ds(w_base, _CHUNK)], so0).wait()
        pltpu.make_async_copy(
            out_v1, out_hbm.at[pl.ds(w_base, _CHUNK)], so1).wait()

    return sc_kernel


def kernel(seq):
    B, L, F = seq.shape
    rows = B * L
    flat = seq.reshape(rows, F)
    out = _make_sc_kernel(rows)(flat)
    return out.reshape(B, L, _FO)

# --- scband reference (transcript-rebuilt; emitter-appended) ---
"""Pipeline reference for scband-sequence-embedding-43628277793155 (READ-ONLY COPY).

The authoritative reference and input builder live on the scoring server;
editing this copy changes nothing except your own understanding.
"""

import jax, jax.numpy as jnp
import numpy as np

HORSES_PER_RACE = 14

def setup_inputs(seed: int = 0) -> dict:
    key = jax.random.key(seed)
    # seq[..., 0] holds integer horse indices in [0, 14); other channels are features.
    seq = jax.random.randint(key, (4096, 200, 64), 0, 14).astype(jnp.float32)
    return {"seq": seq}

def reference(seq):
    B, L, F = seq.shape
    mask = seq[..., 0] != 0
    idx = seq[..., 0].astype(jnp.int32)
    x = jnp.zeros((B, L, HORSES_PER_RACE), dtype=seq.dtype)
    bi = jnp.arange(B)[:, None]
    li = jnp.arange(L)[None, :]
    # scatter-overwrite: set 1 at the horse index only where seq[...,0] != 0.
    # Where mask is False, idx == 0 and we set 0.0 into an already-zero slot (no-op),
    # exactly matching torch's masked advanced-indexing assignment.
    vals = jnp.where(mask, jnp.asarray(1.0, seq.dtype), jnp.asarray(0.0, seq.dtype))
    x = x.at[bi, li, idx].set(vals)
    out = jnp.concatenate([x, seq[..., 1:]], axis=-1)
    return out

if __name__ == "__main__":
    import jax
    _d = setup_inputs()
    print(jax.jit(kernel)(*tuple(_d.values())))

</pallas_src>

<mosaic_0001>
#map = affine_map<(d0, d1) -> (0, 0)>
module attributes {stable_mosaic.version = 14 : i64} {
  func.func @sc_kernel(%arg0: i32, %arg1: i32, %arg2: memref<819200x64xf32, #tpu.memory_space<hbm>>, %arg3: memref<819200x77xf32, #tpu.memory_space<hbm>>, %arg4: memref<256x64xf32, #tpu.memory_space<vmem>>, %arg5: memref<256x64xf32, #tpu.memory_space<vmem>>, %arg6: memref<256x77xf32, #tpu.memory_space<vmem>>, %arg7: memref<256x77xf32, #tpu.memory_space<vmem>>, %arg8: memref<!tpu.dma_semaphore, #tpu.memory_space<semaphore_mem>>, %arg9: memref<!tpu.dma_semaphore, #tpu.memory_space<semaphore_mem>>, %arg10: memref<!tpu.dma_semaphore, #tpu.memory_space<semaphore_mem>>, %arg11: memref<!tpu.dma_semaphore, #tpu.memory_space<semaphore_mem>>) attributes {dimension_semantics = [#tpu.dimension_semantics<core_parallel>, #tpu.dimension_semantics<subcore_parallel>], iteration_bounds = array<i64: 2, 16>, scalar_prefetch = 0 : i64, scratch_operands = 8 : i64, tpu.core_type = #tpu.core_type<sc_vector_subcore>, window_params = [{transform_indices = #map}, {transform_indices = #map}]} {
    %mul3A = arith.constant 2 : i32
    %mul3A_0 = arith.muli %arg1, %mul3A : i32
    %add3A = arith.addi %mul3A_0, %arg0 : i32
    %mul3A_1 = arith.constant 25600 : i32
    %mul3A_2 = arith.muli %add3A, %mul3A_1 : i32
    %iota3A = tpu.iota {dimensions = array<i32: 0>} : vector<16xi32>
    %add3A_3 = arith.constant 15 : i32
    %add3A_4 = vector.broadcast %add3A_3 : i32 to vector<16xi32>
    %add3A_5 = arith.addi %iota3A, %add3A_4 : vector<16xi32>
    %jit3A = arith.constant 16 : i32
    %eq3A = arith.constant 0 : i32
    %eq3A_6 = arith.cmpi eq, %jit3A, %eq3A : i32
    %jit3A_7 = arith.constant 1 : i32
    %select_n3A = arith.select %eq3A_6, %jit3A_7, %jit3A : i32
    %rem3A = vector.broadcast %select_n3A : i32 to vector<16xi32>
    %rem3A_8 = arith.remsi %add3A_5, %rem3A : vector<16xi32>
    %ne3A = arith.constant 0 : i32
    %ne3A_9 = vector.broadcast %ne3A : i32 to vector<16xi32>
    %ne3A_10 = arith.cmpi ne, %rem3A_8, %ne3A_9 : vector<16xi32>
    %lt3A = arith.constant 0 : i32
    %lt3A_11 = vector.broadcast %lt3A : i32 to vector<16xi32>
    %lt3A_12 = arith.cmpi slt, %rem3A_8, %lt3A_11 : vector<16xi32>
    %lt3A_13 = arith.constant 0 : i32
    %lt3A_14 = arith.cmpi slt, %select_n3A, %lt3A_13 : i32
    %ne3A_15 = vector.broadcast %lt3A_14 : i1 to vector<16xi1>
    %ne3A_16 = vector.broadcast %ne3A_15 : vector<16xi1> to vector<16xi1>
    %ne3A_17 = arith.xori %lt3A_12, %ne3A_16 : vector<16xi1>
    %and3A = arith.andi %ne3A_17, %ne3A_10 : vector<16xi1>
    %add3A_18 = vector.broadcast %select_n3A : i32 to vector<16xi32>
    %add3A_19 = arith.addi %rem3A_8, %add3A_18 : vector<16xi32>
    %select_n3A_20 = arith.select %and3A, %add3A_19, %rem3A_8 : vector<16xi1>, vector<16xi32>
    %add3A_21 = arith.constant 1 : i32
    %add3A_22 = vector.broadcast %add3A_21 : i32 to vector<16xi32>
    %add3A_23 = arith.addi %select_n3A_20, %add3A_22 : vector<16xi32>
    %convert_element_type3A = arith.sitofp %add3A_23 : vector<16xi32> to vector<16xf32>
    %lt3A_24 = arith.constant 14 : i32
    %lt3A_25 = vector.broadcast %lt3A_24 : i32 to vector<16xi32>
    %lt3A_26 = arith.cmpi slt, %iota3A, %lt3A_25 : vector<16xi32>
    %sub3A = arith.constant 13 : i32
    %sub3A_27 = vector.broadcast %sub3A : i32 to vector<16xi32>
    %sub3A_28 = arith.subi %iota3A, %sub3A_27 : vector<16xi32>
    %jit3A_29 = arith.constant 0 : i32
    %broadcast_in_dim3A = vector.broadcast %jit3A_29 : i32 to vector<16xi32>
    %select_n3A_30 = arith.select %lt3A_26, %broadcast_in_dim3A, %sub3A_28 : vector<16xi1>, vector<16xi32>
    %dma_start3A = arith.constant 0 : i32
    %dma_start3A_31 = tpu.memref_slice %arg2[%mul3A_2, %dma_start3A] : memref<819200x64xf32, #tpu.memory_space<hbm>> -> memref<256x64xf32, #tpu.memory_space<hbm>>
    %dma_start3A_32 = arith.constant 0 : i32
    %dma_start3A_33 = tpu.memref_slice %arg2[%mul3A_2, %dma_start3A_32] : memref<819200x64xf32, #tpu.memory_space<hbm>> -> memref<256x64xf32, #tpu.memory_space<hbm>>
    tpu.enqueue_dma source(%dma_start3A_33 : memref<256x64xf32, #tpu.memory_space<hbm>>) target(%arg4 : memref<256x64xf32, #tpu.memory_space<vmem>>) target_semaphore(%arg8 : memref<!tpu.dma_semaphore, #tpu.memory_space<semaphore_mem>>)
    %scan3A = arith.constant 0 : i32
    %scan3A_34 = arith.constant 0 : i32
    %scan3A_35 = arith.constant 50 : i32
    %scan3A_36 = arith.addi %scan3A_34, %scan3A_35 : i32
    %scan3A_37 = arith.constant 1 : i32
    %scan3A_38 = scf.for %scan3A_47 = %scan3A_34 to %scan3A_36 step %scan3A_37 iter_args(%scan3A_48 = %scan3A) -> (i32)  : i32 {
      %mul3A_49 = arith.constant 2 : i32
      %mul3A_50 = arith.muli %mul3A_49, %scan3A_47 : i32
      %mul3A_51 = arith.constant 256 : i32
      %mul3A_52 = arith.muli %mul3A_50, %mul3A_51 : i32
      %add3A_53 = arith.addi %mul3A_2, %mul3A_52 : i32
      %dma_wait3A_54 = arith.constant 0 : i32
      %dma_wait3A_55 = tpu.memref_slice %arg2[%add3A_53, %dma_wait3A_54] : memref<819200x64xf32, #tpu.memory_space<hbm>> -> memref<256x64xf32, #tpu.memory_space<hbm>>
      %dma_wait3A_56 = arith.constant 0 : i32
      %dma_wait3A_57 = tpu.memref_slice %arg2[%add3A_53, %dma_wait3A_56] : memref<819200x64xf32, #tpu.memory_space<hbm>> -> memref<256x64xf32, #tpu.memory_space<hbm>>
      tpu.wait_dma2 semaphore(%arg8 : memref<!tpu.dma_semaphore, #tpu.memory_space<semaphore_mem>>) src(%dma_wait3A_57 : memref<256x64xf32, #tpu.memory_space<hbm>>) dst(%arg4 : memref<256x64xf32, #tpu.memory_space<vmem>>)
      %add3A_58 = arith.constant 1 : i32
      %add3A_59 = arith.addi %mul3A_50, %add3A_58 : i32
      %lt3A_60 = arith.constant 100 : i32
      %lt3A_61 = arith.cmpi slt, %add3A_59, %lt3A_60 : i32
      %convert_element_type3A_62 = arith.extui %lt3A_61 : i1 to i32
      %cond3A = arith.constant 0 : i32
      %cond3A_63 = arith.cmpi ne, %convert_element_type3A_62, %cond3A : i32
      scf.if %cond3A_63 {
        %add3A_109 = arith.constant 256 : i32
        %add3A_110 = arith.addi %add3A_53, %add3A_109 : i32
        %dma_start3A_111 = arith.constant 0 : i32
        %dma_start3A_112 = tpu.memref_slice %arg2[%add3A_110, %dma_start3A_111] : memref<819200x64xf32, #tpu.memory_space<hbm>> -> memref<256x64xf32, #tpu.memory_space<hbm>>
        %dma_start3A_113 = arith.constant 0 : i32
        %dma_start3A_114 = tpu.memref_slice %arg2[%add3A_110, %dma_start3A_113] : memref<819200x64xf32, #tpu.memory_space<hbm>> -> memref<256x64xf32, #tpu.memory_space<hbm>>
        tpu.enqueue_dma source(%dma_start3A_114 : memref<256x64xf32, #tpu.memory_space<hbm>>) target(%arg5 : memref<256x64xf32, #tpu.memory_space<vmem>>) target_semaphore(%arg9 : memref<!tpu.dma_semaphore, #tpu.memory_space<semaphore_mem>>)
      } else {
      }
      %gt3A = arith.constant 0 : i32
      %gt3A_64 = arith.cmpi sgt, %scan3A_47, %gt3A : i32
      %convert_element_type3A_65 = arith.extui %gt3A_64 : i1 to i32
      %cond3A_66 = arith.constant 0 : i32
      %cond3A_67 = arith.cmpi ne, %convert_element_type3A_65, %cond3A_66 : i32
      scf.if %cond3A_67 {
        %dma_wait3A_109 = arith.constant 0 : i32
        %dma_wait3A_110 = tpu.memref_slice %arg3[%add3A_53, %dma_wait3A_109] : memref<819200x77xf32, #tpu.memory_space<hbm>> -> memref<256x77xf32, #tpu.memory_space<hbm>>
        %dma_wait3A_111 = arith.constant 0 : i32
        %dma_wait3A_112 = tpu.memref_slice %arg3[%add3A_53, %dma_wait3A_111] : memref<819200x77xf32, #tpu.memory_space<hbm>> -> memref<256x77xf32, #tpu.memory_space<hbm>>
        tpu.wait_dma2 semaphore(%arg10 : memref<!tpu.dma_semaphore, #tpu.memory_space<semaphore_mem>>) src(%arg6 : memref<256x77xf32, #tpu.memory_space<vmem>>) dst(%dma_wait3A_112 : memref<256x77xf32, #tpu.memory_space<hbm>>)
      } else {
      }
      %parallel_loop3A = arith.constant 0 : i32
      %parallel_loop3A_68 = arith.constant 256 : i32
      %parallel_loop3A_69 = arith.constant 1 : i32
      %parallel_loop3A_70 = arith.constant 0 : i32
      %parallel_loop3A_71 = scf.for %parallel_loop3A_109 = %parallel_loop3A to %parallel_loop3A_68 step %parallel_loop3A_69 iter_args(%parallel_loop3A_110 = %parallel_loop3A_70) -> (i32)  : i32 {
        %parallel_loop3A_111 = arith.index_cast %parallel_loop3A_109 : i32 to index
        %parallel_loop3A_112 = arith.constant 0 : index
        %parallel_loop3A_113 = tpu.vector_load %arg4[%parallel_loop3A_111, %parallel_loop3A_112] {strides = array<i32>} : memref<256x64xf32, #tpu.memory_space<vmem>>, vector<1x16xf32>,
        %parallel_loop3A_114 = vector.shape_cast %parallel_loop3A_113 : vector<1x16xf32> to vector<16xf32>
        %parallel_loop3A_115 = arith.index_cast %parallel_loop3A_109 : i32 to index
        %parallel_loop3A_116 = arith.constant 3 : index
        %parallel_loop3A_117 = tpu.vector_load %arg4[%parallel_loop3A_115, %parallel_loop3A_116] {strides = array<i32>} : memref<256x64xf32, #tpu.memory_space<vmem>>, vector<1x16xf32>,
        %parallel_loop3A_118 = vector.shape_cast %parallel_loop3A_117 : vector<1x16xf32> to vector<16xf32>
        %parallel_loop3A_119 = arith.index_cast %parallel_loop3A_109 : i32 to index
        %parallel_loop3A_120 = arith.constant 19 : index
        %parallel_loop3A_121 = tpu.vector_load %arg4[%parallel_loop3A_119, %parallel_loop3A_120] {strides = array<i32>} : memref<256x64xf32, #tpu.memory_space<vmem>>, vector<1x16xf32>,
        %parallel_loop3A_122 = vector.shape_cast %parallel_loop3A_121 : vector<1x16xf32> to vector<16xf32>
        %parallel_loop3A_123 = arith.index_cast %parallel_loop3A_109 : i32 to index
        %parallel_loop3A_124 = arith.constant 35 : index
        %parallel_loop3A_125 = tpu.vector_load %arg4[%parallel_loop3A_123, %parallel_loop3A_124] {strides = array<i32>} : memref<256x64xf32, #tpu.memory_space<vmem>>, vector<1x16xf32>,
        %parallel_loop3A_126 = vector.shape_cast %parallel_loop3A_125 : vector<1x16xf32> to vector<16xf32>
        %parallel_loop3A_127 = arith.index_cast %parallel_loop3A_109 : i32 to index
        %parallel_loop3A_128 = arith.constant 48 : index
        %parallel_loop3A_129 = tpu.vector_load %arg4[%parallel_loop3A_127, %parallel_loop3A_128] {strides = array<i32>} : memref<256x64xf32, #tpu.memory_space<vmem>>, vector<1x16xf32>,
        %parallel_loop3A_130 = vector.shape_cast %parallel_loop3A_129 : vector<1x16xf32> to vector<16xf32>
        %parallel_loop3A_131 = vector.shape_cast %select_n3A_30 : vector<16xi32> to vector<16x1xi32>
        %parallel_loop3A_132 = vector.shape_cast %parallel_loop3A_131 : vector<16x1xi32> to vector<16xi32>
        %parallel_loop3A_133 = tpu.dynamic_gather %parallel_loop3A_114[%parallel_loop3A_132] in [0] : vector<16xf32>, vector<16xi32> -> vector<16xf32>
        %parallel_loop3A_134 = arith.cmpf oeq, %parallel_loop3A_133, %convert_element_type3A : vector<16xf32>
        %parallel_loop3A_135 = arith.constant 1.000000e+00 : f32
        %parallel_loop3A_136 = arith.constant 0.000000e+00 : f32
        %parallel_loop3A_137 = vector.broadcast %parallel_loop3A_135 : f32 to vector<16xf32>
        %parallel_loop3A_138 = vector.broadcast %parallel_loop3A_136 : f32 to vector<16xf32>
        %parallel_loop3A_139 = arith.select %parallel_loop3A_134, %parallel_loop3A_137, %parallel_loop3A_138 : vector<16xi1>, vector<16xf32>
        %parallel_loop3A_140 = arith.constant 14 : i32
        %parallel_loop3A_141 = vector.broadcast %parallel_loop3A_140 : i32 to vector<16xi32>
        %parallel_loop3A_142 = arith.cmpi slt, %iota3A, %parallel_loop3A_141 : vector<16xi32>
        %parallel_loop3A_143 = arith.select %parallel_loop3A_142, %parallel_loop3A_139, %parallel_loop3A_133 : vector<16xi1>, vector<16xf32>
        %parallel_loop3A_144 = arith.index_cast %parallel_loop3A_109 : i32 to index
        %parallel_loop3A_145 = arith.constant 0 : index
        %parallel_loop3A_146 = tpu.vector_load %arg6[%parallel_loop3A_144, %parallel_loop3A_145] {strides = array<i32>} : memref<256x77xf32, #tpu.memory_space<vmem>>, vector<1x16xf32>,
        %parallel_loop3A_147 = vector.shape_cast %parallel_loop3A_146 : vector<1x16xf32> to vector<16xf32>
        %parallel_loop3A_148 = vector.shape_cast %parallel_loop3A_143 : vector<16xf32> to vector<1x16xf32>
        tpu.vector_store %arg6[%parallel_loop3A_144, %parallel_loop3A_145], %parallel_loop3A_148 {strides = array<i32>} : memref<256x77xf32, #tpu.memory_space<vmem>>, vector<1x16xf32>,
        %parallel_loop3A_149 = arith.index_cast %parallel_loop3A_109 : i32 to index
        %parallel_loop3A_150 = arith.constant 16 : index
        %parallel_loop3A_151 = tpu.vector_load %arg6[%parallel_loop3A_149, %parallel_loop3A_150] {strides = array<i32>} : memref<256x77xf32, #tpu.memory_space<vmem>>, vector<1x16xf32>,
        %parallel_loop3A_152 = vector.shape_cast %parallel_loop3A_151 : vector<1x16xf32> to vector<16xf32>
        %parallel_loop3A_153 = vector.shape_cast %parallel_loop3A_118 : vector<16xf32> to vector<1x16xf32>
        tpu.vector_store %arg6[%parallel_loop3A_149, %parallel_loop3A_150], %parallel_loop3A_153 {strides = array<i32>} : memref<256x77xf32, #tpu.memory_space<vmem>>, vector<1x16xf32>,
        %parallel_loop3A_154 = arith.index_cast %parallel_loop3A_109 : i32 to index
        %parallel_loop3A_155 = arith.constant 32 : index
        %parallel_loop3A_156 = tpu.vector_load %arg6[%parallel_loop3A_154, %parallel_loop3A_155] {strides = array<i32>} : memref<256x77xf32, #tpu.memory_space<vmem>>, vector<1x16xf32>,
        %parallel_loop3A_157 = vector.shape_cast %parallel_loop3A_156 : vector<1x16xf32> to vector<16xf32>
        %parallel_loop3A_158 = vector.shape_cast %parallel_loop3A_122 : vector<16xf32> to vector<1x16xf32>
        tpu.vector_store %arg6[%parallel_loop3A_154, %parallel_loop3A_155], %parallel_loop3A_158 {strides = array<i32>} : memref<256x77xf32, #tpu.memory_space<vmem>>, vector<1x16xf32>,
        %parallel_loop3A_159 = arith.index_cast %parallel_loop3A_109 : i32 to index
        %parallel_loop3A_160 = arith.constant 48 : index
        %parallel_loop3A_161 = tpu.vector_load %arg6[%parallel_loop3A_159, %parallel_loop3A_160] {strides = array<i32>} : memref<256x77xf32, #tpu.memory_space<vmem>>, vector<1x16xf32>,
        %parallel_loop3A_162 = vector.shape_cast %parallel_loop3A_161 : vector<1x16xf32> to vector<16xf32>
        %parallel_loop3A_163 = vector.shape_cast %parallel_loop3A_126 : vector<16xf32> to vector<1x16xf32>
        tpu.vector_store %arg6[%parallel_loop3A_159, %parallel_loop3A_160], %parallel_loop3A_163 {strides = array<i32>} : memref<256x77xf32, #tpu.memory_space<vmem>>, vector<1x16xf32>,
        %parallel_loop3A_164 = arith.index_cast %parallel_loop3A_109 : i32 to index
        %parallel_loop3A_165 = arith.constant 61 : index
        %parallel_loop3A_166 = tpu.vector_load %arg6[%parallel_loop3A_164, %parallel_loop3A_165] {strides = array<i32>} : memref<256x77xf32, #tpu.memory_space<vmem>>, vector<1x16xf32>,
        %parallel_loop3A_167 = vector.shape_cast %parallel_loop3A_166 : vector<1x16xf32> to vector<16xf32>
        %parallel_loop3A_168 = vector.shape_cast %parallel_loop3A_130 : vector<16xf32> to vector<1x16xf32>
        tpu.vector_store %arg6[%parallel_loop3A_164, %parallel_loop3A_165], %parallel_loop3A_168 {strides = array<i32>} : memref<256x77xf32, #tpu.memory_space<vmem>>, vector<1x16xf32>,
        scf.yield %parallel_loop3A_110 : i32
      } {sc.loop_unroll_factor = 16 : i64, sc.parallel_access}
      %dma_start3A_72 = arith.constant 0 : i32
      %dma_start3A_73 = tpu.memref_slice %arg3[%add3A_53, %dma_start3A_72] : memref<819200x77xf32, #tpu.memory_space<hbm>> -> memref<256x77xf32, #tpu.memory_space<hbm>>
      %dma_start3A_74 = arith.constant 0 : i32
      %dma_start3A_75 = tpu.memref_slice %arg3[%add3A_53, %dma_start3A_74] : memref<819200x77xf32, #tpu.memory_space<hbm>> -> memref<256x77xf32, #tpu.memory_space<hbm>>
      tpu.enqueue_dma source(%arg6 : memref<256x77xf32, #tpu.memory_space<vmem>>) target(%dma_start3A_75 : memref<256x77xf32, #tpu.memory_space<hbm>>) target_semaphore(%arg10 : memref<!tpu.dma_semaphore, #tpu.memory_space<semaphore_mem>>)
      %mul3A_76 = arith.constant 2 : i32
      %mul3A_77 = arith.muli %mul3A_76, %scan3A_47 : i32
      %add3A_78 = arith.constant 1 : i32
      %add3A_79 = arith.addi %mul3A_77, %add3A_78 : i32
      %mul3A_80 = arith.constant 256 : i32
      %mul3A_81 = arith.muli %add3A_79, %mul3A_80 : i32
      %add3A_82 = arith.addi %mul3A_2, %mul3A_81 : i32
      %dma_wait3A_83 = arith.constant 0 : i32
      %dma_wait3A_84 = tpu.memref_slice %arg2[%add3A_82, %dma_wait3A_83] : memref<819200x64xf32, #tpu.memory_space<hbm>> -> memref<256x64xf32, #tpu.memory_space<hbm>>
      %dma_wait3A_85 = arith.constant 0 : i32
      %dma_wait3A_86 = tpu.memref_slice %arg2[%add3A_82, %dma_wait3A_85] : memref<819200x64xf32, #tpu.memory_space<hbm>> -> memref<256x64xf32, #tpu.memory_space<hbm>>
      tpu.wait_dma2 semaphore(%arg9 : memref<!tpu.dma_semaphore, #tpu.memory_space<semaphore_mem>>) src(%dma_wait3A_86 : memref<256x64xf32, #tpu.memory_space<hbm>>) dst(%arg5 : memref<256x64xf32, #tpu.memory_space<vmem>>)
      %add3A_87 = arith.constant 1 : i32
      %add3A_88 = arith.addi %add3A_79, %add3A_87 : i32
      %lt3A_89 = arith.constant 100 : i32
      %lt3A_90 = arith.cmpi slt, %add3A_88, %lt3A_89 : i32
      %convert_element_type3A_91 = arith.extui %lt3A_90 : i1 to i32
      %cond3A_92 = arith.constant 0 : i32
      %cond3A_93 = arith.cmpi ne, %convert_element_type3A_91, %cond3A_92 : i32
      scf.if %cond3A_93 {
        %add3A_109 = arith.constant 256 : i32
        %add3A_110 = arith.addi %add3A_82, %add3A_109 : i32
        %dma_start3A_111 = arith.constant 0 : i32
        %dma_start3A_112 = tpu.memref_slice %arg2[%add3A_110, %dma_start3A_111] : memref<819200x64xf32, #tpu.memory_space<hbm>> -> memref<256x64xf32, #tpu.memory_space<hbm>>
        %dma_start3A_113 = arith.constant 0 : i32
        %dma_start3A_114 = tpu.memref_slice %arg2[%add3A_110, %dma_start3A_113] : memref<819200x64xf32, #tpu.memory_space<hbm>> -> memref<256x64xf32, #tpu.memory_space<hbm>>
        tpu.enqueue_dma source(%dma_start3A_114 : memref<256x64xf32, #tpu.memory_space<hbm>>) target(%arg4 : memref<256x64xf32, #tpu.memory_space<vmem>>) target_semaphore(%arg8 : memref<!tpu.dma_semaphore, #tpu.memory_space<semaphore_mem>>)
      } else {
      }
      %gt3A_94 = arith.constant 0 : i32
      %gt3A_95 = arith.cmpi sgt, %scan3A_47, %gt3A_94 : i32
      %convert_element_type3A_96 = arith.extui %gt3A_95 : i1 to i32
      %cond3A_97 = arith.constant 0 : i32
      %cond3A_98 = arith.cmpi ne, %convert_element_type3A_96, %cond3A_97 : i32
      scf.if %cond3A_98 {
        %dma_wait3A_109 = arith.constant 0 : i32
        %dma_wait3A_110 = tpu.memref_slice %arg3[%add3A_82, %dma_wait3A_109] : memref<819200x77xf32, #tpu.memory_space<hbm>> -> memref<256x77xf32, #tpu.memory_space<hbm>>
        %dma_wait3A_111 = arith.constant 0 : i32
        %dma_wait3A_112 = tpu.memref_slice %arg3[%add3A_82, %dma_wait3A_111] : memref<819200x77xf32, #tpu.memory_space<hbm>> -> memref<256x77xf32, #tpu.memory_space<hbm>>
        tpu.wait_dma2 semaphore(%arg11 : memref<!tpu.dma_semaphore, #tpu.memory_space<semaphore_mem>>) src(%arg7 : memref<256x77xf32, #tpu.memory_space<vmem>>) dst(%dma_wait3A_112 : memref<256x77xf32, #tpu.memory_space<hbm>>)
      } else {
      }
      %parallel_loop3A_99 = arith.constant 0 : i32
      %parallel_loop3A_100 = arith.constant 256 : i32
      %parallel_loop3A_101 = arith.constant 1 : i32
      %parallel_loop3A_102 = arith.constant 0 : i32
      %parallel_loop3A_103 = scf.for %parallel_loop3A_109 = %parallel_loop3A_99 to %parallel_loop3A_100 step %parallel_loop3A_101 iter_args(%parallel_loop3A_110 = %parallel_loop3A_102) -> (i32)  : i32 {
        %parallel_loop3A_111 = arith.index_cast %parallel_loop3A_109 : i32 to index
        %parallel_loop3A_112 = arith.constant 0 : index
        %parallel_loop3A_113 = tpu.vector_load %arg5[%parallel_loop3A_111, %parallel_loop3A_112] {strides = array<i32>} : memref<256x64xf32, #tpu.memory_space<vmem>>, vector<1x16xf32>,
        %parallel_loop3A_114 = vector.shape_cast %parallel_loop3A_113 : vector<1x16xf32> to vector<16xf32>
        %parallel_loop3A_115 = arith.index_cast %parallel_loop3A_109 : i32 to index
        %parallel_loop3A_116 = arith.constant 3 : index
        %parallel_loop3A_117 = tpu.vector_load %arg5[%parallel_loop3A_115, %parallel_loop3A_116] {strides = array<i32>} : memref<256x64xf32, #tpu.memory_space<vmem>>, vector<1x16xf32>,
        %parallel_loop3A_118 = vector.shape_cast %parallel_loop3A_117 : vector<1x16xf32> to vector<16xf32>
        %parallel_loop3A_119 = arith.index_cast %parallel_loop3A_109 : i32 to index
        %parallel_loop3A_120 = arith.constant 19 : index
        %parallel_loop3A_121 = tpu.vector_load %arg5[%parallel_loop3A_119, %parallel_loop3A_120] {strides = array<i32>} : memref<256x64xf32, #tpu.memory_space<vmem>>, vector<1x16xf32>,
        %parallel_loop3A_122 = vector.shape_cast %parallel_loop3A_121 : vector<1x16xf32> to vector<16xf32>
        %parallel_loop3A_123 = arith.index_cast %parallel_loop3A_109 : i32 to index
        %parallel_loop3A_124 = arith.constant 35 : index
        %parallel_loop3A_125 = tpu.vector_load %arg5[%parallel_loop3A_123, %parallel_loop3A_124] {strides = array<i32>} : memref<256x64xf32, #tpu.memory_space<vmem>>, vector<1x16xf32>,
        %parallel_loop3A_126 = vector.shape_cast %parallel_loop3A_125 : vector<1x16xf32> to vector<16xf32>
        %parallel_loop3A_127 = arith.index_cast %parallel_loop3A_109 : i32 to index
        %parallel_loop3A_128 = arith.constant 48 : index
        %parallel_loop3A_129 = tpu.vector_load %arg5[%parallel_loop3A_127, %parallel_loop3A_128] {strides = array<i32>} : memref<256x64xf32, #tpu.memory_space<vmem>>, vector<1x16xf32>,
        %parallel_loop3A_130 = vector.shape_cast %parallel_loop3A_129 : vector<1x16xf32> to vector<16xf32>
        %parallel_loop3A_131 = vector.shape_cast %select_n3A_30 : vector<16xi32> to vector<16x1xi32>
        %parallel_loop3A_132 = vector.shape_cast %parallel_loop3A_131 : vector<16x1xi32> to vector<16xi32>
        %parallel_loop3A_133 = tpu.dynamic_gather %parallel_loop3A_114[%parallel_loop3A_132] in [0] : vector<16xf32>, vector<16xi32> -> vector<16xf32>
        %parallel_loop3A_134 = arith.cmpf oeq, %parallel_loop3A_133, %convert_element_type3A : vector<16xf32>
        %parallel_loop3A_135 = arith.constant 1.000000e+00 : f32
        %parallel_loop3A_136 = arith.constant 0.000000e+00 : f32
        %parallel_loop3A_137 = vector.broadcast %parallel_loop3A_135 : f32 to vector<16xf32>
        %parallel_loop3A_138 = vector.broadcast %parallel_loop3A_136 : f32 to vector<16xf32>
        %parallel_loop3A_139 = arith.select %parallel_loop3A_134, %parallel_loop3A_137, %parallel_loop3A_138 : vector<16xi1>, vector<16xf32>
        %parallel_loop3A_140 = arith.constant 14 : i32
        %parallel_loop3A_141 = vector.broadcast %parallel_loop3A_140 : i32 to vector<16xi32>
        %parallel_loop3A_142 = arith.cmpi slt, %iota3A, %parallel_loop3A_141 : vector<16xi32>
        %parallel_loop3A_143 = arith.select %parallel_loop3A_142, %parallel_loop3A_139, %parallel_loop3A_133 : vector<16xi1>, vector<16xf32>
        %parallel_loop3A_144 = arith.index_cast %parallel_loop3A_109 : i32 to index
        %parallel_loop3A_145 = arith.constant 0 : index
        %parallel_loop3A_146 = tpu.vector_load %arg7[%parallel_loop3A_144, %parallel_loop3A_145] {strides = array<i32>} : memref<256x77xf32, #tpu.memory_space<vmem>>, vector<1x16xf32>,
        %parallel_loop3A_147 = vector.shape_cast %parallel_loop3A_146 : vector<1x16xf32> to vector<16xf32>
        %parallel_loop3A_148 = vector.shape_cast %parallel_loop3A_143 : vector<16xf32> to vector<1x16xf32>
        tpu.vector_store %arg7[%parallel_loop3A_144, %parallel_loop3A_145], %parallel_loop3A_148 {strides = array<i32>} : memref<256x77xf32, #tpu.memory_space<vmem>>, vector<1x16xf32>,
        %parallel_loop3A_149 = arith.index_cast %parallel_loop3A_109 : i32 to index
        %parallel_loop3A_150 = arith.constant 16 : index
        %parallel_loop3A_151 = tpu.vector_load %arg7[%parallel_loop3A_149, %parallel_loop3A_150] {strides = array<i32>} : memref<256x77xf32, #tpu.memory_space<vmem>>, vector<1x16xf32>,
        %parallel_loop3A_152 = vector.shape_cast %parallel_loop3A_151 : vector<1x16xf32> to vector<16xf32>
        %parallel_loop3A_153 = vector.shape_cast %parallel_loop3A_118 : vector<16xf32> to vector<1x16xf32>
        tpu.vector_store %arg7[%parallel_loop3A_149, %parallel_loop3A_150], %parallel_loop3A_153 {strides = array<i32>} : memref<256x77xf32, #tpu.memory_space<vmem>>, vector<1x16xf32>,
        %parallel_loop3A_154 = arith.index_cast %parallel_loop3A_109 : i32 to index
        %parallel_loop3A_155 = arith.constant 32 : index
        %parallel_loop3A_156 = tpu.vector_load %arg7[%parallel_loop3A_154, %parallel_loop3A_155] {strides = array<i32>} : memref<256x77xf32, #tpu.memory_space<vmem>>, vector<1x16xf32>,
        %parallel_loop3A_157 = vector.shape_cast %parallel_loop3A_156 : vector<1x16xf32> to vector<16xf32>
        %parallel_loop3A_158 = vector.shape_cast %parallel_loop3A_122 : vector<16xf32> to vector<1x16xf32>
        tpu.vector_store %arg7[%parallel_loop3A_154, %parallel_loop3A_155], %parallel_loop3A_158 {strides = array<i32>} : memref<256x77xf32, #tpu.memory_space<vmem>>, vector<1x16xf32>,
        %parallel_loop3A_159 = arith.index_cast %parallel_loop3A_109 : i32 to index
        %parallel_loop3A_160 = arith.constant 48 : index
        %parallel_loop3A_161 = tpu.vector_load %arg7[%parallel_loop3A_159, %parallel_loop3A_160] {strides = array<i32>} : memref<256x77xf32, #tpu.memory_space<vmem>>, vector<1x16xf32>,
        %parallel_loop3A_162 = vector.shape_cast %parallel_loop3A_161 : vector<1x16xf32> to vector<16xf32>
        %parallel_loop3A_163 = vector.shape_cast %parallel_loop3A_126 : vector<16xf32> to vector<1x16xf32>
        tpu.vector_store %arg7[%parallel_loop3A_159, %parallel_loop3A_160], %parallel_loop3A_163 {strides = array<i32>} : memref<256x77xf32, #tpu.memory_space<vmem>>, vector<1x16xf32>,
        %parallel_loop3A_164 = arith.index_cast %parallel_loop3A_109 : i32 to index
        %parallel_loop3A_165 = arith.constant 61 : index
        %parallel_loop3A_166 = tpu.vector_load %arg7[%parallel_loop3A_164, %parallel_loop3A_165] {strides = array<i32>} : memref<256x77xf32, #tpu.memory_space<vmem>>, vector<1x16xf32>,
        %parallel_loop3A_167 = vector.shape_cast %parallel_loop3A_166 : vector<1x16xf32> to vector<16xf32>
        %parallel_loop3A_168 = vector.shape_cast %parallel_loop3A_130 : vector<16xf32> to vector<1x16xf32>
        tpu.vector_store %arg7[%parallel_loop3A_164, %parallel_loop3A_165], %parallel_loop3A_168 {strides = array<i32>} : memref<256x77xf32, #tpu.memory_space<vmem>>, vector<1x16xf32>,
        scf.yield %parallel_loop3A_110 : i32
      } {sc.loop_unroll_factor = 16 : i64, sc.parallel_access}
      %dma_start3A_104 = arith.constant 0 : i32
      %dma_start3A_105 = tpu.memref_slice %arg3[%add3A_82, %dma_start3A_104] : memref<819200x77xf32, #tpu.memory_space<hbm>> -> memref<256x77xf32, #tpu.memory_space<hbm>>
      %dma_start3A_106 = arith.constant 0 : i32
      %dma_start3A_107 = tpu.memref_slice %arg3[%add3A_82, %dma_start3A_106] : memref<819200x77xf32, #tpu.memory_space<hbm>> -> memref<256x77xf32, #tpu.memory_space<hbm>>
      tpu.enqueue_dma source(%arg7 : memref<256x77xf32, #tpu.memory_space<vmem>>) target(%dma_start3A_107 : memref<256x77xf32, #tpu.memory_space<hbm>>) target_semaphore(%arg11 : memref<!tpu.dma_semaphore, #tpu.memory_space<semaphore_mem>>)
      %scan3A_108 = arith.constant 0 : i32
      scf.yield %scan3A_108 : i32
    }
    %scan3A_39 = arith.constant 50 : i32
    %dma_wait3A = arith.constant 0 : i32
    %dma_wait3A_40 = tpu.memref_slice %arg3[%mul3A_2, %dma_wait3A] : memref<819200x77xf32, #tpu.memory_space<hbm>> -> memref<256x77xf32, #tpu.memory_space<hbm>>
    %dma_wait3A_41 = arith.constant 0 : i32
    %dma_wait3A_42 = tpu.memref_slice %arg3[%mul3A_2, %dma_wait3A_41] : memref<819200x77xf32, #tpu.memory_space<hbm>> -> memref<256x77xf32, #tpu.memory_space<hbm>>
    tpu.wait_dma2 semaphore(%arg10 : memref<!tpu.dma_semaphore, #tpu.memory_space<semaphore_mem>>) src(%arg6 : memref<256x77xf32, #tpu.memory_space<vmem>>) dst(%dma_wait3A_42 : memref<256x77xf32, #tpu.memory_space<hbm>>)
    %dma_wait3A_43 = arith.constant 0 : i32
    %dma_wait3A_44 = tpu.memref_slice %arg3[%mul3A_2, %dma_wait3A_43] : memref<819200x77xf32, #tpu.memory_space<hbm>> -> memref<256x77xf32, #tpu.memory_space<hbm>>
    %dma_wait3A_45 = arith.constant 0 : i32
    %dma_wait3A_46 = tpu.memref_slice %arg3[%mul3A_2, %dma_wait3A_45] : memref<819200x77xf32, #tpu.memory_space<hbm>> -> memref<256x77xf32, #tpu.memory_space<hbm>>
    tpu.wait_dma2 semaphore(%arg11 : memref<!tpu.dma_semaphore, #tpu.memory_space<semaphore_mem>>) src(%arg7 : memref<256x77xf32, #tpu.memory_space<vmem>>) dst(%dma_wait3A_46 : memref<256x77xf32, #tpu.memory_space<hbm>>)
    return
  }
}

</mosaic_0001>

<sc_bundles>
// kernel: kernel.3.cloned.1.call-start
scs
__scs_entry_jumppad:
0x0: {  	(pc) =	sbr.rel $0x88, $3  }
0x1: {  	(tag) =	ssettag $0x0;
	lr =	simm.s32 $0x1  }
0x2: {  	[smem:$0x3FA0] =	sst lr;
	_ =	strace $0xD0000000  }
0x3: {  	_ = 	snop  }
0x4: {  	_ = 	snop  }
0x5: {  	_ = 	snop  }
0x6: {  	_ = 	snop  }
0x7: {  	_ = 	snop  }
__scs_overlays_trampoline_lowered:
0x8: {  	[smem:$0x3FAF] =	sst s0  }
0x9: {  	[smem:$0x3FB0] =	sst s1  }
0xa: {  	[smem:$0x3FB1] =	sst s2  }
0xb: {  	[smem:$0x3FB2] =	sst s3  }
0xc: {  	[smem:$0x3FB3] =	sst s4  }
0xd: {  	[smem:$0x3FB4] =	sst s5  }
0xe: {  	[smem:$0x3FB5] =	sst s6  }
0xf: {  	[smem:$0x3FB6] =	sst s7  }
0x10: {  	[smem:$0x3FB7] =	sst s8  }
0x11: {  	[smem:$0x3FB8] =	sst s9;
	s0 =	simm.s32 @!p0 $0x0  }
0x12: {  	s1 =	sld [smem:$0x3F9E];
	s0 =	simm.s32 @p0 $0x1  }
0x13: {  	[smem:$0x3FB9] =	sst s0;
	s0 =	simm.s32 @!p1 $0x0  }
0x14: {  	s2 =	sld [smem:$0x3F9D];
	s0 =	simm.s32 @p1 $0x1  }
0x15: {  	[smem:$0x3FBA] =	sst s0;
	s0 =	simm.s32 @!p2 $0x0  }
0x16: {  	s3 =	sld [smem:$0x3FDB];
	s0 =	simm.s32 @p2 $0x1  }
0x17: {  	s4 =	simm.s32 $0x1BF5;
	[smem:$0x3FBC] =	sst s0  }
0x18: {  	s0 =	sld [smem:$0x3F9F];
	_ =	swait.ge [sflag:s4], $0x0  }
0x19: {  	s7 =	sld [smem:$0x3FA0]  }
0x1a: {  	s8 =	sadd.s32 $0xFFFFE003, lr  }
0x1b: {  	s9 =	sadd.s32 $0xFFFFFEF7, lr;
	s5 =	simm.s32 $0xFFFFFFFF;
	p2 =	slt.u32 s8, $0xFFFFF086  }
0x1c: {  	p1 =	slt.u32 s9, $0xF7A;
	s5 =	simm.s32 @!p2 $0x0  }
0x1d: {  	s5 =	simm.s32 @p1 $0x1;
	p0 =	seq.s32 s7, s2  }
0x1e: {  	s7 =	smul.u32 @!p0 $0xF7A, s2;
	p2 =	seq.s32 @!p0 s5, $0x0  }
0x1f: {  	s9 =	smul.u32 $0xF7A, s1;
	s8 =	simm.s32 @!p0 $0x1BF5;
	p2 =	por !p2, p0  }
0x20: {  	[sflag:s8] =	ssyncset.s32 @!p0 $0xFFFFF086;
	s6 =	sadd.s32 @!p0 s3, s7;
	s7 =	simm.s32 @!p0 $0x108  }
0x21: {  	s3 =	sadd.s32 s3, s9;
	s6 =	sadd.s32 @!p0 $0x88, s6;
	s7 =	simm.s32 @p2 $0x1082  }
0x22: {  	[simem:s7], [sflag:s8] =	dma.local @!p0 [hbm:s6], $0xF7A  }
0x23: {  	s9 =	sor.u32 $0xD0000000, s2;
	s6 =	simm.s32 $0x108;
	_ =	swait.ge @!p0 [sflag:s8], $0x0  }
0x24: {  	s3 =	sadd.s32 $0x88, s3;
	s6 =	simm.s32 @!p1 $0x1082;
	[sflag:s4] =	ssyncset.s32 $0xFFFFF086  }
0x25: {  	[simem:s6], [sflag:s4] =	dma.local [hbm:s3], $0xF7A  }
0x26: {  	[smem:$0x3FA0] =	sst s1;
	(tag) =	ssettag s2;
	_ =	strace s9  }
0x27: {  	s1 =	sld [smem:$0x3FB0]  }
0x28: {  	s2 =	sld [smem:$0x3FB1]  }
0x29: {  	s4 =	sld [smem:$0x3FB3]  }
0x2a: {  	p0 =	seq.s32 s5, $0x0;
	s5 =	sld [smem:$0x3FB4]  }
0x2b: {  	s6 =	sld [smem:$0x3FB5]  }
0x2c: {  	s7 =	sld [smem:$0x3FB6]  }
0x2d: {  	s3 =	simm.s32 $0x108;
	s8 =	sld [smem:$0x3FB7]  }
0x2e: {  	s3 =	simm.s32 @!p0 $0x1082;
	s9 =	sld [smem:$0x3FB8]  }
0x2f: {  	lr =	sadd.s32 s0, s3;
	s0 =	sld [smem:$0x3FAF]  }
0x30: {  	s3 =	sld [smem:$0x3FB2]  }
0x31: {  	[smem:$0x3FBB] =	sst s10  }
0x32: {  	s10 =	sld [smem:$0x3FB9];
	_ =	sdelay $0x3  }
0x33: {  	p0 =	seq.s32 s10, $0x1;
	s10 =	sld [smem:$0x3FBB];
	_ =	sdelay $0x3  }
0x34: {  	[smem:$0x3FBB] =	sst s10  }
0x35: {  	s10 =	sld [smem:$0x3FBA];
	_ =	sdelay $0x3  }
0x36: {  	p1 =	seq.s32 s10, $0x1;
	s10 =	sld [smem:$0x3FBB];
	_ =	sdelay $0x3  }
0x37: {  	[smem:$0x3FBB] =	sst s10  }
0x38: {  	s10 =	sld [smem:$0x3FBC]  }
0x39: {  	_ = 	snop;
	(pc) =	sbr.ind lr, $3  }
0x3a: {  	_ = 	snop  }
0x3b: {  	_ = 	snop  }
0x3c: {  	p2 =	seq.s32 s10, $0x1;
	s10 =	sld [smem:$0x3FBB]  }
0x3d: {  	_ =	shalt  }
0x3e: {  	_ =	shalt  }
0x3f: {  	_ =	shalt  }
0x40: {  	_ =	shalt  }
0x41: {  	_ =	shalt  }
0x42: {  	_ =	shalt  }
0x43: {  	_ =	shalt  }
0x44: {  	_ =	shalt  }
0x45: {  	_ =	shalt  }
0x46: {  	_ =	shalt  }
0x47: {  	_ =	shalt  }
0x48: {  	_ =	shalt  }
0x49: {  	_ =	shalt  }
0x4a: {  	_ =	shalt  }
0x4b: {  	_ =	shalt  }
0x4c: {  	_ =	shalt  }
0x4d: {  	_ =	shalt  }
0x4e: {  	_ =	shalt  }
0x4f: {  	_ =	shalt  }
0x50: {  	_ =	shalt  }
0x51: {  	_ =	shalt  }
0x52: {  	_ =	shalt  }
0x53: {  	_ =	shalt  }
0x54: {  	_ =	shalt  }
0x55: {  	_ =	shalt  }
0x56: {  	_ =	shalt  }
0x57: {  	_ =	shalt  }
0x58: {  	_ =	shalt  }
0x59: {  	_ =	shalt  }
0x5a: {  	_ =	shalt  }
0x5b: {  	_ =	shalt  }
0x5c: {  	_ =	shalt  }
0x5d: {  	_ =	shalt  }
0x5e: {  	_ =	shalt  }
0x5f: {  	_ =	shalt  }
0x60: {  	_ =	shalt  }
0x61: {  	_ =	shalt  }
0x62: {  	_ =	shalt  }
0x63: {  	_ =	shalt  }
0x64: {  	_ =	shalt  }
0x65: {  	_ =	shalt  }
0x66: {  	_ =	shalt  }
0x67: {  	_ =	shalt  }
0x68: {  	_ =	shalt  }
0x69: {  	_ =	shalt  }
0x6a: {  	_ =	shalt  }
0x6b: {  	_ =	shalt  }
0x6c: {  	_ =	shalt  }
0x6d: {  	_ =	shalt  }
0x6e: {  	_ =	shalt  }
0x6f: {  	_ =	shalt  }
0x70: {  	_ =	shalt  }
0x71: {  	_ =	shalt  }
0x72: {  	_ =	shalt  }
0x73: {  	_ =	shalt  }
0x74: {  	_ =	shalt  }
0x75: {  	_ =	shalt  }
0x76: {  	_ =	shalt  }
0x77: {  	_ =	shalt  }
0x78: {  	_ =	shalt  }
0x79: {  	_ =	shalt  }
0x7a: {  	_ =	shalt  }
0x7b: {  	_ =	shalt  }
0x7c: {  	_ =	shalt  }
0x7d: {  	_ =	shalt  }
0x7e: {  	_ =	shalt  }
0x7f: {  	_ =	shalt  }
0x80: {  	_ =	shalt  }
0x81: {  	_ =	shalt  }
0x82: {  	_ =	shalt  }
0x83: {  	_ =	shalt  }
0x84: {  	_ =	shalt  }
0x85: {  	_ =	shalt  }
0x86: {  	_ =	shalt  }
0x87: {  	_ =	shalt  }
.Lfunc_end0:
.L_simem_size_0:
called_computation.1_lowered:
.L_overlay_start_0:
0x88: {  	s2 =	sld [smem:$0x3FD9]  }
0x89: {  	s3 =	sld [smem:$0x3FFE];
	_ =	sdelay $0x1  }
0x8a: {  	s1 =	srdreg.scid  }
0x8b: {  	s0 =	sand.u32 $0x1, s1  }
0x8c: {  	s16 =	sshll.u32 s0, $0xA;
	s2 =	sadd.s32 s3, s2  }
0x8d: {  	s2 =	sadd.s32 s2, s16  }
0x8e: {  	[smem:$0x3FC7] =	sst s2  }
0x8f: {  	_ = 	snop  }
0x90: {  	(tm) =	ssettm $0x1  }
0x91: {  	s17 =	sld [smem:$0x3FFB];
	_ =	sdelay $0x3  }
0x92: {  	_ =	strace s17  }
0x93: {  	s2 =	sld [smem:$0x3FFC];
	_ =	sdelay $0x3  }
0x94: {  	_ =	strace s2  }
0x95: {  	s2 =	sld [smem:$0x3FFD];
	_ =	sdelay $0x3  }
0x96: {  	_ =	strace s2  }
0x97: {  	_ =	strace $0x8FFFFFFF  }
0x98: {  	s18 =	sld [smem:$0x3FDB];
	_ =	sdelay $0x1  }
0x99: {  	s19 =	simm.s32 $_scs_section_size  }
0x9a: {  	s4 =	simm.s32 $_size__tile_overlayer_lowered;
	s5 =	simm.s32 $_tile_overlayer_lowered  }
0x9b: {  	s22 =	simm.s32 $0x1BFF;
	s21 =	sshll.u32 s5, $0x1;
	s2 =	sadd.s32 s19, s18  }
0x9c: {  	s6 =	simm.s32 $0x0;
	s20 =	sshll.u32 s4, $0x1;
	s4 =	sadd.s32 s21, s2  }
0x9d: {  	[timem:s6], [sflag:s22] =	dma.local [hbm:s4], s20  }
0x9e: {  	_ =	swait.ge [sflag:s22], s20  }
0x9f: {  	s3 =	ssub.s32 $0x0, s20;
	[sflag:s22] =	ssyncset.done $0x0  }
0xa0: {  	[sflag:s22] =	ssyncadd.s32 s3;
	_ =	sdelay $0x1  }
0xa1: {  	s23 =	simm.s32 $0x1B8B  }
0xa2: {  	_ =	swait.ge [sflag:s23], $0x1  }
0xa3: {  	[sflag:s23] =	ssyncset.done $0x0  }
0xa4: {  	s25 =	simm.s32 $0x1B8E;
	s24 =	sld [smem:$0x3FFE];
	[sflag:s23] =	ssyncadd.s32 $0xFFFFFFFF  }
0xa5: {  	s26 =	simm.s32 $execute0_lowered;
	[smem:$0x3FD2] =	sst s25  }
0xa6: {  	s4 =	sshll.u32 s26, $0x1;
	_ =	strace $0x80000046;
	[dreg:$0x1] =	wrdreg $0xFFFFFFFF  }
0xa7: {  	s28 =	simm.s32 $_size_execute0_lowered;
	s2 =	sadd.s32 s2, s4;
	[dreg:$0x0] =	wrdreg $0x0  }
0xa8: {  	s4 =	sshll.u32 s28, $0x1;
	[dreg:$0x2] =	wrdreg s2  }
0xa9: {  	[dreg:$0x3] =	wrdreg s4  }
0xaa: {  	[dreg:$0x4] =	wrdreg $0xC0  }
0xab: {  	_ =	task [dreg:s6], $0x5FFFF  }
0xac: {  	[dreg:$0x1] =	wrdreg $0xFFFFFFFF  }
0xad: {  	[dreg:$0x0] =	wrdreg $0x60  }
0xae: {  	[dreg:$0x2] =	wrdreg s24  }
0xaf: {  	[dreg:$0x3] =	wrdreg $0x9  }
0xb0: {  	_ =	task.clear_ibuf [dreg:s6], $0x4FFFF;
	_ =	strace $0x90000046  }
0xb1: {  	s29 =	simm.s32 $0x9;
	_ =	strace $0x80000048  }
0xb2: {  	_ =	swait.ge [sflag:s29], $0x1  }
0xb3: {  	[sflag:s29] =	ssyncadd.s32 $0xFFFFFFFF  }
0xb4: {  	_ =	strace $0x90000048  }
0xb5: {  	_ =	sfence  }
0xb6: {  	s30 =	sld [smem:$0x0];
	_ =	sdelay $0x2  }
0xb7: {  	s31 =	sshll.u32 s1, $0xD;
	s1 =	sshrl.u32 s1, $0x2  }
0xb8: {  	s3 =	sand.u32 $0x4000, s31;
	s1 =	sadd.s32 s1, s30  }
0xb9: {  	s0 =	sor.u32 s3, s0;
	s1 =	sshll.u32 s1, $0x11  }
0xba: {  	s0 =	sor.u32 s1, s0  }
0xbb: {  	s0 =	sadd.s32 $0x8F2B, s0  }
0xbc: {  	[sflag:s0] =	ssyncadd.remote.s32 $0x1  }
0xbd: {  	_ =	sfence.sel $0xFFFF  }
0xbe: {  	[dreg:$0x0] =	wrdreg $0xFFFFFFFF;
	(pc) =	sbr.abs _section_cstart, $3  }
0xbf: {  	[dreg:$0x1] =	wrdreg $0xFFFFFFFF  }
0xc0: {  	_ =	task.clear_ibuf [dreg:s6], $0x2FFFF;
	_ =	strace $0x9FFFFFFF  }
0xc1: {  	(tm) =	ssettm $0x7FFFFFFF  }
tec
execute0_lowered:
.L_overlay_start_1:
0x0: {  	(tag) =	ssettag $0x1  }
0x1: {  	v0 =	vimm.f32 $1.500000000e+01;
	vm0 =	vcmask $0x300  }
0x2: {  	v0 =	vsel vm0, $0x41800000, v0;
	vm0 =	vcmask $0x704  }
0x3: {  	v0 =	vsel vm0, $0x3F800000, v0;
	vm0 =	vcmask $0xB08  }
0x4: {  	v0 =	vsel vm0, $0x40000000, v0;
	vm0 =	vcmask $0xF0C  }
0x5: {  	v0 =	vsel vm0, $0x40400000, v0;
	vm0 =	vcmask $0x1310  }
0x6: {  	v0 =	vsel vm0, $0x40800000, v0;
	vm0 =	vcmask $0x1714  }
0x7: {  	s1 =	srdreg.scid;
	v0 =	vsel vm0, $0x40A00000, v0;
	vm0 =	vcmask $0x1B18  }
0x8: {  	s0 =	stileid.u32;
	s6 =	rddreg [dreg:$0x0];
	s2 =	simm.s32 $0x0;
	v0 =	vsel vm0, $0x40C00000, v0;
	vm0 =	vcmask $0x1F1C  }
0x9: {  	s9 =	simm.s32 $0x8000;
	s10 =	simm.s32 $0x10000;
	s11 =	simm.s32 $0x2;
	v0 =	vsel vm0, $0x40E00000, v0;
	vm0 =	vcmask $0x2320  }
0xa: {  	s12 =	simm.s32 $0x18000;
	s13 =	simm.s32 $0x3;
	s14 =	simm.s32 $0x4;
	v0 =	vsel vm0, $0x41000000, v0;
	vm0 =	vcmask $0x2724  }
0xb: {  	v1 =	vimm.s32 $0x2;
	s3 =	sand.u32 $0x1, s1;
	s4 =	sshll.u32 s0, $0x1;
	s1 =	rddreg [dreg:$0x1];
	v0 =	vsel vm0, $0x41100000, v0;
	vm0 =	vcmask $0x2B28  }
0xc: {  	vm1 =	vcmask $0x3700;
	s15 =	simm.s32 $0x0;
	[smem:$0x7FF] =	sst s2;
	s4 =	sor.u32 s3, s4;
	v0 =	vsel vm0, $0x41200000, v0;
	vm0 =	vcmask $0x2F2C  }
0xd: {  	v1 =	vsel vm1, $0x0, v1;
	s7 =	ssub.s32 $0x2, s3;
	_ =	strace $0x80000047;
	s5 =	smul.u32 $0x64000, s4;
	v0 =	vsel vm0, $0x41300000, v0;
	vm0 =	vcmask $0x3330  }
0xe: {  	vm1 =	vcmask $0x3B38;
	s3 =	sadd.s32 $0xC80800, s6;
	s8 =	sshrl.u32 s7, $0x1;
	s4 =	smul.u32 $0x6400, s4;
	v2 =	vsel vm0, $0x41400000, v0;
	vm0 =	vcmask $0x3734  }
0xf: {  	s7 =	ssub.s32 s7, s8;
	s8 =	simm.s32 $0x1;
	s5 =	sadd.s32 s5, s6;
	v0 =	vsel vm1, $0x1, v1;
	v1 =	vsel vm0, $0x41500000, v2  }
0x10: {  	s6 =	sadd.s32 $0x1800, s6;
	s7 =	smax.u32 s7, $0x1;
	s5 =	sadd.s32 $0x800, s5;
	v2 =	vimm.f32 $0.0e+00;
	vm0 =	vmmov $0x3fff;
	v1 =	vsel vm1, $0x41600000, v1  }
.LBB2_1:
0x11: {  	[tilespmem:s2], [sflag:$0x1] =	stream.linear.gather [hbm4b:s5+s2], $0x8000, $0x38;
	v63 =	vld [tilespmem:$0x0]  }
0x12: {  	s16 =	simm.s32 $0x0  }
.LBB2_2:
0x13: {  	s17 =	sshll.u32 s16, $0x9  }
0x14: {  	_ =	swait.ge [sflag:s8], $0x8000;
	s18 =	sadd.s32 s4, s17  }
0x15: {  	[sflag:s8] =	ssyncset.done $0x0;
	s18 =	sshll.u32 s18, $0x4  }
0x16: {  	p0 =	seq.s32 s16, $0x0;
	[sflag:s8] =	ssyncadd.s32 $0xFFFF8000;
	s19 =	sadd.s32 s18, s6  }
0x17: {  	[tilespmem:s9], [sflag:$0x2] =	stream.linear.gather [hbm4b:s19+s2], $0x8000, $0x38;
	v63 =	vld [tilespmem:$0x0]  }
0x18: {  	s19 =	simm.s32 @!p0 $0x3  }
0x19: {  	_ =	swait.ge @!p0 [sflag:s19], $0x8000  }
0x1a: {  	[sflag:s19] =	ssyncset.done @!p0 $0x0  }
0x1b: {  	s20 =	simm.s32 $0x400;
	[sflag:s19] =	ssyncadd.s32 @!p0 $0xFFFF8000  }
0x1c: {  	v3 =	vld [tilespmem:s20+$0x380]  }
0x1d: {  	v8 =	vld [tilespmem:s20+$0xFFFFFC80]  }
0x1e: {  	v9 =	vld [tilespmem:s20+$0xFFFFFD00]  }
0x1f: {  	v10 =	vld [tilespmem:s20+$0xFFFFFD80]  }
0x20: {  	v11 =	vld [tilespmem:s20+$0xFFFFFE00]  }
0x21: {  	v12 =	vld [tilespmem:s20+$0xFFFFFE80]  }
0x22: {  	v13 =	vld [tilespmem:s20+$0xFFFFFF00]  }
0x23: {  	v14 =	vld [tilespmem:s20+$0x383]  }
0x24: {  	v15 =	vld [tilespmem:s20+$0x393]  }
0x25: {  	v16 =	vld [tilespmem:s20+$0x3A3]  }
0x26: {  	v17 =	vld [tilespmem:s20+$0x3B0]  }
0x27: {  	v18 =	vld [tilespmem:s20+$0xFFFFFF80]  }
0x28: {  	v19 =	vld [tilespmem:s20+$0x0]  }
0x29: {  	v20 =	vld [tilespmem:s20+$0x80]  }
0x2a: {  	v7 =	vld [tilespmem:s20+$0x100]  }
0x2b: {  	v6 =	vld [tilespmem:s20+$0x180]  }
0x2c: {  	v5 =	vld [tilespmem:s20+$0x200]  }
0x2d: {  	v4 =	vld [tilespmem:s20+$0x280]  }
0x2e: {  	v27 =	vld [tilespmem:s20+$0x83]  }
0x2f: {  	s19 =	simm.s32 $0x10400;
	v28 =	vld [tilespmem:s20+$0x93]  }
0x30: {  	v29 =	vld [tilespmem:s20+$0xA3];
	[tilespmem:s19+$0x390] =	vst v14  }
0x31: {  	v23 =	vld [tilespmem:s20+$0xFFFFFC00];
	[tilespmem:s19+$0x3A0] =	vst v15  }
0x32: {  	v30 =	vld [tilespmem:s20+$0xB0];
	[tilespmem:s19+$0x3B0] =	vst v16  }
0x33: {  	v62 =	vld [tilespmem:s20+$0x3];
	v21 =	vperm.xlane v3, v0;
	[tilespmem:s19+$0x90] =	vst v27  }
0x34: {  	v14 =	vld [tilespmem:s20+$0xFFFFFC23];
	[tilespmem:s19+$0xA0] =	vst v28  }
0x35: {  	v8 =	vperm.xlane v8, v0;
	v15 =	vld [tilespmem:s20+$0xFFFFFC30];
	[tilespmem:s19+$0xB0] =	vst v29;
	vm1 =	veq.f32 v21, v1  }
0x36: {  	v16 =	vld [tilespmem:s20+$0xFFFFFC83];
	v23 =	vperm.xlane v23, v0;
	[tilespmem:s19+$0x3BD] =	vst v17;
	v22 =	vsel vm1, $0x3F800000, v2  }
0x37: {  	[tilespmem:s19+$0xBD] =	vst v30;
	vm1 =	veq.f32 v8, v1;
	v21 =	vsel vm0, v22, v21;
	v22 =	vld [tilespmem:s20+$0xFFFFFC03]  }
0x38: {  	v24 =	vsel vm1, $0x3F800000, v2;
	vm1 =	veq.f32 v23, v1;
	[tilespmem:s19+$0x380] =	vst v21;
	v21 =	vld [tilespmem:s20+$0xFFFFFC13]  }
0x39: {  	v17 =	vld [tilespmem:s20+$0xFFFFFC93];
	v55 =	vsel vm1, $0x3F800000, v2;
	[tilespmem:s19+$0xFFFFFC30] =	vst v14  }
0x3a: {  	v9 =	vperm.xlane v9, v0;
	v14 =	vld [tilespmem:s20+$0xFFFFFD13];
	v23 =	vsel vm0, v55, v23;
	[tilespmem:s19+$0xFFFFFC3D] =	vst v15  }
0x3b: {  	v15 =	vld [tilespmem:s20+$0xFFFFFD30];
	[tilespmem:s19+$0xFFFFFC00] =	vst v23  }
0x3c: {  	vm1 =	veq.f32 v9, v1;
	v23 =	vld [tilespmem:s20+$0xFFFFFD23];
	[tilespmem:s19+$0xFFFFFC10] =	vst v22  }
0x3d: {  	v8 =	vsel vm0, v24, v8;
	v56 =	vsel vm1, $0x3F800000, v2;
	v22 =	vld [tilespmem:s20+$0xFFFFFCA3];
	[tilespmem:s19+$0xFFFFFC20] =	vst v21  }
0x3e: {  	v9 =	vsel vm0, v56, v9;
	v21 =	vld [tilespmem:s20+$0xFFFFFCB0];
	[tilespmem:s19+$0xFFFFFC80] =	vst v8  }
0x3f: {  	v8 =	vld [tilespmem:s20+$0xFFFFFD03];
	[tilespmem:s19+$0xFFFFFD00] =	vst v9  }
0x40: {  	v9 =	vld [tilespmem:s20+$0xFFFFFD83];
	[tilespmem:s19+$0xFFFFFC90] =	vst v16  }
0x41: {  	v10 =	vperm.xlane v10, v0;
	v16 =	vld [tilespmem:s20+$0xFFFFFD93];
	[tilespmem:s19+$0xFFFFFCA0] =	vst v17  }
0x42: {  	v17 =	vld [tilespmem:s20+$0xFFFFFDA3];
	[tilespmem:s19+$0xFFFFFD20] =	vst v14  }
0x43: {  	vm1 =	veq.f32 v10, v1;
	v14 =	vld [tilespmem:s20+$0xFFFFFE30];
	[tilespmem:s19+$0xFFFFFD30] =	vst v23  }
0x44: {  	v11 =	vperm.xlane v11, v0;
	v57 =	vsel vm1, $0x3F800000, v2;
	v23 =	vld [tilespmem:s20+$0xFFFFFE93];
	[tilespmem:s19+$0xFFFFFD3D] =	vst v15  }
0x45: {  	v10 =	vsel vm0, v57, v10;
	v15 =	vld [tilespmem:s20+$0xFFFFFEA3];
	[tilespmem:s19+$0xFFFFFCB0] =	vst v22  }
0x46: {  	v12 =	vperm.xlane v12, v0;
	vm1 =	veq.f32 v11, v1;
	v22 =	vld [tilespmem:s20+$0xFFFFFDB0];
	[tilespmem:s19+$0xFFFFFD80] =	vst v10  }
0x47: {  	v58 =	vsel vm1, $0x3F800000, v2;
	v10 =	vld [tilespmem:s20+$0xFFFFFE03];
	[tilespmem:s19+$0xFFFFFCBD] =	vst v21  }
0x48: {  	vm1 =	veq.f32 v12, v1;
	v11 =	vsel vm0, v58, v11;
	v21 =	vld [tilespmem:s20+$0xFFFFFE13];
	[tilespmem:s19+$0xFFFFFD10] =	vst v8  }
0x49: {  	v59 =	vsel vm1, $0x3F800000, v2;
	v8 =	vld [tilespmem:s20+$0xFFFFFE23];
	[tilespmem:s19+$0xFFFFFE00] =	vst v11  }
0x4a: {  	v12 =	vsel vm0, v59, v12;
	v11 =	vld [tilespmem:s20+$0xFFFFFE83];
	[tilespmem:s19+$0xFFFFFD90] =	vst v9  }
0x4b: {  	v9 =	vld [tilespmem:s20+$0xFFFFFEB0];
	[tilespmem:s19+$0xFFFFFE80] =	vst v12  }
0x4c: {  	v25 =	vld [tilespmem:s20+$0x13];
	v13 =	vperm.xlane v13, v0;
	[tilespmem:s19+$0xFFFFFDA0] =	vst v16  }
0x4d: {  	v26 =	vld [tilespmem:s20+$0x30];
	[tilespmem:s19+$0xFFFFFDB0] =	vst v17  }
0x4e: {  	vm1 =	veq.f32 v13, v1;
	v12 =	vld [tilespmem:s20+$0xFFFFFF03];
	[tilespmem:s19+$0xFFFFFEA0] =	vst v23  }
0x4f: {  	v60 =	vsel vm1, $0x3F800000, v2;
	v16 =	vld [tilespmem:s20+$0xFFFFFF13];
	[tilespmem:s19+$0xFFFFFEB0] =	vst v15  }
0x50: {  	v18 =	vperm.xlane v18, v0;
	v13 =	vsel vm0, v60, v13;
	v17 =	vld [tilespmem:s20+$0xFFFFFF23];
	[tilespmem:s19+$0xFFFFFDBD] =	vst v22  }
0x51: {  	v22 =	vld [tilespmem:s20+$0xFFFFFF30];
	[tilespmem:s19+$0xFFFFFF00] =	vst v13  }
0x52: {  	vm1 =	veq.f32 v18, v1;
	v13 =	vld [tilespmem:s20+$0xFFFFFF83];
	[tilespmem:s19+$0xFFFFFE10] =	vst v10  }
0x53: {  	v61 =	vsel vm1, $0x3F800000, v2;
	v10 =	vld [tilespmem:s20+$0xFFFFFF93];
	[tilespmem:s19+$0xFFFFFE20] =	vst v21  }
0x54: {  	v18 =	vsel vm0, v61, v18;
	v21 =	vld [tilespmem:s20+$0xFFFFFFA3];
	[tilespmem:s19+$0xFFFFFE30] =	vst v8  }
0x55: {  	v8 =	vld [tilespmem:s20+$0xFFFFFFB0];
	[tilespmem:s19+$0xFFFFFF80] =	vst v18  }
0x56: {  	v3 =	vld [tilespmem:s20+$0x300];
	[tilespmem:s19+$0xFFFFFE90] =	vst v11  }
0x57: {  	v23 =	vld [tilespmem:s20+$0x1B0];
	[tilespmem:s19+$0xFFFFFEBD] =	vst v9  }
0x58: {  	v15 =	vld [tilespmem:s20+$0x113];
	[tilespmem:s19+$0xFFFFFF10] =	vst v12  }
0x59: {  	v19 =	vperm.xlane v19, v0;
	v11 =	vld [tilespmem:s20+$0x23];
	[tilespmem:s19+$0xFFFFFF20] =	vst v16  }
0x5a: {  	[tilespmem:s19+$0xFFFFFF30] =	vst v17;
	v16 =	vld [tilespmem:s20+$0x123]  }
0x5b: {  	vm1 =	veq.f32 v19, v1;
	v18 =	vperm.xlane v20, v0;
	v17 =	vld [tilespmem:s20+$0x130];
	[tilespmem:s19+$0x10] =	vst v62  }
0x5c: {  	v20 =	vld [tilespmem:s20+$0x193];
	[tilespmem:s19+$0xFFFFFE3D] =	vst v14;
	v14 =	vsel vm1, $0x3F800000, v2  }
0x5d: {  	[tilespmem:s19+$0x20] =	vst v25;
	v12 =	vld [tilespmem:s20+$0x230];
	v14 =	vsel vm0, v14, v19;
	vm1 =	veq.f32 v18, v1  }
0x5e: {  	v19 =	vld [tilespmem:s20+$0x213];
	[tilespmem:s19+$0x0] =	vst v14;
	v14 =	vsel vm1, $0x3F800000, v2  }
0x5f: {  	v7 =	vperm.xlane v7, v0;
	v9 =	vsel vm0, v14, v18;
	v14 =	vld [tilespmem:s20+$0x103];
	[tilespmem:s19+$0xFFFFFF3D] =	vst v22  }
0x60: {  	v18 =	vld [tilespmem:s20+$0x183];
	[tilespmem:s19+$0xFFFFFF90] =	vst v13  }
0x61: {  	v6 =	vperm.xlane v6, v0;
	vm1 =	veq.f32 v7, v1;
	[tilespmem:s19+$0xFFFFFFA0] =	vst v10;
	v22 =	vld [tilespmem:s20+$0x1A3]  }
0x62: {  	v13 =	vld [tilespmem:s20+$0x223];
	[tilespmem:s19+$0x80] =	vst v9;
	v9 =	vsel vm1, $0x3F800000, v2  }
0x63: {  	v5 =	vperm.xlane v5, v0;
	v10 =	vld [tilespmem:s20+$0x303];
	vm1 =	veq.f32 v6, v1;
	[tilespmem:s19+$0xFFFFFFB0] =	vst v21;
	v7 =	vsel vm0, v9, v7  }
0x64: {  	v4 =	vperm.xlane v4, v0;
	v21 =	vld [tilespmem:s20+$0x203];
	[tilespmem:s19+$0x100] =	vst v7;
	v7 =	vsel vm1, $0x3F800000, v2  }
0x65: {  	[tilespmem:s19+$0x30] =	vst v11;
	v11 =	vld [tilespmem:s20+$0x313];
	vm1 =	veq.f32 v5, v1;
	v6 =	vsel vm0, v7, v6  }
0x66: {  	v3 =	vperm.xlane v3, v0;
	v9 =	vld [tilespmem:s20+$0x283];
	[tilespmem:s19+$0x180] =	vst v6;
	v6 =	vsel vm1, $0x3F800000, v2;
	vm1 =	veq.f32 v4, v1  }
0x67: {  	[tilespmem:s19+$0xFFFFFFBD] =	vst v8;
	v5 =	vsel vm0, v6, v5;
	v7 =	vsel vm1, $0x3F800000, v2;
	v6 =	vld [tilespmem:s20+$0x2A3]  }
0x68: {  	vm1 =	veq.f32 v3, v1;
	[tilespmem:s19+$0x200] =	vst v5;
	v5 =	vld [tilespmem:s20+$0x293];
	v4 =	vsel vm0, v7, v4  }
0x69: {  	v7 =	vld [tilespmem:s20+$0x2B0];
	[tilespmem:s19+$0x280] =	vst v4;
	v4 =	vsel vm1, $0x3F800000, v2  }
0x6a: {  	[tilespmem:s19+$0x3D] =	vst v26;
	v8 =	vld [tilespmem:s20+$0x323];
	v3 =	vsel vm0, v4, v3  }
0x6b: {  	s21 =	simm.s32 $0x0;
	s22 =	simm.s32 $0xC00;
	v4 =	vld [tilespmem:s20+$0x330];
	s20 =	simm.s32 $0x10400;
	[tilespmem:s19+$0x300] =	vst v3  }
.LBB2_3:
0x6c: {  	v3 =	vld [tilespmem:s22+$0x380];
	s21 =	sadd.s32 $0x10, s21;
	[tilespmem:s19+$0x110] =	vst v14  }
0x6d: {  	v14 =	vld [tilespmem:s22+$0xFFFFFC80];
	p0 =	slt.u32 s21, $0xF0;
	[tilespmem:s19+$0x120] =	vst v15  }
0x6e: {  	v15 =	vld [tilespmem:s22+$0xFFFFFD00];
	[tilespmem:s19+$0x130] =	vst v16  }
0x6f: {  	v16 =	vld [tilespmem:s22+$0xFFFFFD80];
	[tilespmem:s19+$0x13D] =	vst v17  }
0x70: {  	v17 =	vld [tilespmem:s22+$0xFFFFFE00];
	[tilespmem:s19+$0x190] =	vst v18  }
0x71: {  	v18 =	vld [tilespmem:s22+$0xFFFFFE80];
	v3 =	vperm.xlane v3, v0;
	[tilespmem:s19+$0x1A0] =	vst v20  }
0x72: {  	v14 =	vperm.xlane v14, v0;
	v20 =	vld [tilespmem:s22+$0xFFFFFF00];
	[tilespmem:s19+$0x1B0] =	vst v22  }
0x73: {  	v15 =	vperm.xlane v15, v0;
	v22 =	vld [tilespmem:s22+$0x383];
	vm1 =	veq.f32 v3, v1;
	[tilespmem:s19+$0x1BD] =	vst v23  }
0x74: {  	vm2 =	veq.f32 v14, v1;
	v16 =	vperm.xlane v16, v0;
	v23 =	vld [tilespmem:s22+$0x393];
	v24 =	vsel vm1, $0x3F800000, v2;
	[tilespmem:s19+$0x210] =	vst v21  }
0x75: {  	s19 =	sadd.s32 $0x800, s19;
	vm1 =	veq.f32 v15, v1;
	v17 =	vperm.xlane v17, v0;
	v21 =	vld [tilespmem:s22+$0x3A3];
	v3 =	vsel vm0, v24, v3;
	[tilespmem:s20+$0x220] =	vst v19  }
0x76: {  	v19 =	vsel vm2, $0x3F800000, v2;
	vm2 =	veq.f32 v16, v1;
	v18 =	vperm.xlane v18, v0;
	v24 =	vld [tilespmem:s22+$0x3B0];
	[tilespmem:s19+$0x380] =	vst v3  }
0x77: {  	v3 =	vsel vm1, $0x3F800000, v2;
	vm1 =	veq.f32 v17, v1;
	v20 =	vperm.xlane v20, v0;
	v25 =	vld [tilespmem:s22+$0xFFFFFF80];
	[tilespmem:s20+$0x230] =	vst v13  }
0x78: {  	v13 =	vsel vm2, $0x3F800000, v2;
	v26 =	vsel vm1, $0x3F800000, v2;
	vm1 =	veq.f32 v18, v1;
	v27 =	vld [tilespmem:s22+$0x0];
	[tilespmem:s20+$0x23D] =	vst v12  }
0x79: {  	v12 =	vsel vm0, v19, v14;
	v14 =	vsel vm1, $0x3F800000, v2;
	vm1 =	veq.f32 v20, v1;
	v19 =	vld [tilespmem:s22+$0x80];
	[tilespmem:s20+$0x290] =	vst v9  }
0x7a: {  	v13 =	vsel vm0, v13, v16;
	v9 =	vsel vm0, v3, v15;
	v3 =	vsel vm1, $0x3F800000, v2;
	v15 =	vld [tilespmem:s22+$0x100];
	[tilespmem:s20+$0x2A0] =	vst v5  }
0x7b: {  	v16 =	vsel vm0, v26, v17;
	v14 =	vsel vm0, v14, v18;
	v5 =	vsel vm0, v3, v20;
	v3 =	vld [tilespmem:s22+$0x180];
	[tilespmem:s20+$0x2B0] =	vst v6  }
0x7c: {  	v6 =	vperm.xlane v25, v0;
	v17 =	vld [tilespmem:s22+$0x200];
	[tilespmem:s20+$0x2BD] =	vst v7  }
0x7d: {  	v7 =	vperm.xlane v27, v0;
	v18 =	vld [tilespmem:s22+$0x280];
	[tilespmem:s20+$0x310] =	vst v10  }
0x7e: {  	vm1 =	veq.f32 v6, v1;
	v10 =	vperm.xlane v19, v0;
	v19 =	vld [tilespmem:s22+$0x300];
	[tilespmem:s20+$0x320] =	vst v11  }
0x7f: {  	v11 =	vld [tilespmem:s22+$0xFFFFFC00];
	v20 =	vsel vm1, $0x3F800000, v2;
	vm1 =	veq.f32 v7, v1;
	v15 =	vperm.xlane v15, v0;
	[tilespmem:s20+$0x330] =	vst v8  }
0x80: {  	v8 =	vld [tilespmem:s22+$0xFFFFFC03];
	v25 =	vsel vm1, $0x3F800000, v2;
	vm1 =	veq.f32 v10, v1;
	v3 =	vperm.xlane v3, v0;
	[tilespmem:s20+$0x33D] =	vst v4;
	s20 =	smov.u32 s19  }
0x81: {  	v4 =	vld [tilespmem:s22+$0xFFFFFC13];
	v26 =	vsel vm1, $0x3F800000, v2;
	vm1 =	veq.f32 v15, v1;
	v17 =	vperm.xlane v17, v0;
	[tilespmem:s19+$0x390] =	vst v22  }
0x82: {  	v22 =	vld [tilespmem:s22+$0xFFFFFC23];
	v27 =	vsel vm1, $0x3F800000, v2;
	vm1 =	veq.f32 v3, v1;
	v18 =	vperm.xlane v18, v0;
	[tilespmem:s19+$0x3A0] =	vst v23  }
0x83: {  	v23 =	vld [tilespmem:s22+$0xFFFFFC30];
	v28 =	vsel vm1, $0x3F800000, v2;
	vm1 =	veq.f32 v17, v1;
	v19 =	vperm.xlane v19, v0;
	[tilespmem:s19+$0x3B0] =	vst v21  }
0x84: {  	v11 =	vperm.xlane v11, v0;
	v21 =	vld [tilespmem:s22+$0xFFFFFC83];
	v29 =	vsel vm1, $0x3F800000, v2;
	vm1 =	veq.f32 v18, v1;
	[tilespmem:s19+$0x3BD] =	vst v24  }
0x85: {  	v20 =	vsel vm0, v20, v6;
	[tilespmem:s19+$0xFFFFFC10] =	vst v8;
	v8 =	vld [tilespmem:s22+$0xFFFFFC93];
	v24 =	vsel vm1, $0x3F800000, v2;
	vm1 =	veq.f32 v19, v1  }
0x86: {  	v7 =	vsel vm0, v25, v7;
	vm2 =	veq.f32 v11, v1;
	[tilespmem:s19+$0xFFFFFC20] =	vst v4;
	v30 =	vld [tilespmem:s22+$0xFFFFFCA3];
	v25 =	vsel vm1, $0x3F800000, v2  }
0x87: {  	v10 =	vsel vm0, v26, v10;
	v4 =	vsel vm2, $0x3F800000, v2;
	v31 =	vld [tilespmem:s22+$0xFFFFFCB0];
	[tilespmem:s19+$0xFFFFFC80] =	vst v12;
	v12 =	vsel vm0, v27, v15  }
0x88: {  	v26 =	vsel vm0, v28, v3;
	v6 =	vsel vm0, v29, v17;
	v4 =	vsel vm0, v4, v11;
	[tilespmem:s19+$0xFFFFFC30] =	vst v22;
	v11 =	vld [tilespmem:s22+$0xFFFFFD03]  }
0x89: {  	v3 =	vsel vm0, v25, v19;
	[tilespmem:s19+$0xFFFFFC00] =	vst v4;
	v15 =	vld [tilespmem:s22+$0xFFFFFD13];
	v4 =	vsel vm0, v24, v18  }
0x8a: {  	[tilespmem:s19+$0xFFFFFC3D] =	vst v23;
	v17 =	vld [tilespmem:s22+$0xFFFFFD23]  }
0x8b: {  	v18 =	vld [tilespmem:s22+$0xFFFFFD30];
	[tilespmem:s19+$0xFFFFFD00] =	vst v9  }
0x8c: {  	[tilespmem:s19+$0xFFFFFC90] =	vst v21;
	v9 =	vld [tilespmem:s22+$0xFFFFFD83]  }
0x8d: {  	[tilespmem:s19+$0xFFFFFCA0] =	vst v8;
	v8 =	vld [tilespmem:s22+$0xFFFFFD93]  }
0x8e: {  	[tilespmem:s19+$0xFFFFFCB0] =	vst v30;
	v19 =	vld [tilespmem:s22+$0xFFFFFDA3]  }
0x8f: {  	v21 =	vld [tilespmem:s22+$0xFFFFFDB0];
	[tilespmem:s19+$0xFFFFFD80] =	vst v13  }
0x90: {  	[tilespmem:s19+$0xFFFFFCBD] =	vst v31;
	v13 =	vld [tilespmem:s22+$0xFFFFFE03]  }
0x91: {  	[tilespmem:s19+$0xFFFFFD10] =	vst v11;
	v11 =	vld [tilespmem:s22+$0xFFFFFE13]  }
0x92: {  	[tilespmem:s19+$0xFFFFFD20] =	vst v15;
	v15 =	vld [tilespmem:s22+$0xFFFFFE23]  }
0x93: {  	v22 =	vld [tilespmem:s22+$0xFFFFFE30];
	[tilespmem:s19+$0xFFFFFE00] =	vst v16  }
0x94: {  	[tilespmem:s19+$0xFFFFFD30] =	vst v17;
	v16 =	vld [tilespmem:s22+$0xFFFFFE83]  }
0x95: {  	[tilespmem:s19+$0xFFFFFD3D] =	vst v18;
	v17 =	vld [tilespmem:s22+$0xFFFFFE93]  }
0x96: {  	[tilespmem:s19+$0xFFFFFD90] =	vst v9;
	v9 =	vld [tilespmem:s22+$0xFFFFFEA3]  }
0x97: {  	v18 =	vld [tilespmem:s22+$0xFFFFFEB0];
	[tilespmem:s19+$0xFFFFFE80] =	vst v14  }
0x98: {  	[tilespmem:s19+$0xFFFFFDA0] =	vst v8;
	v8 =	vld [tilespmem:s22+$0xFFFFFF03]  }
0x99: {  	[tilespmem:s19+$0xFFFFFDB0] =	vst v19;
	v14 =	vld [tilespmem:s22+$0xFFFFFF13]  }
0x9a: {  	[tilespmem:s19+$0xFFFFFDBD] =	vst v21;
	v19 =	vld [tilespmem:s22+$0xFFFFFF23]  }
0x9b: {  	v21 =	vld [tilespmem:s22+$0xFFFFFF30];
	[tilespmem:s19+$0xFFFFFF00] =	vst v5  }
0x9c: {  	[tilespmem:s19+$0xFFFFFE10] =	vst v13;
	v5 =	vld [tilespmem:s22+$0xFFFFFF83]  }
0x9d: {  	[tilespmem:s19+$0xFFFFFE20] =	vst v11;
	v11 =	vld [tilespmem:s22+$0xFFFFFF93]  }
0x9e: {  	[tilespmem:s19+$0xFFFFFE30] =	vst v15;
	v13 =	vld [tilespmem:s22+$0xFFFFFFA3]  }
0x9f: {  	v24 =	vld [tilespmem:s22+$0xFFFFFFB0];
	[tilespmem:s19+$0xFFFFFF80] =	vst v20  }
0xa0: {  	[tilespmem:s19+$0xFFFFFE3D] =	vst v22;
	v25 =	vld [tilespmem:s22+$0x3]  }
0xa1: {  	[tilespmem:s19+$0xFFFFFE90] =	vst v16;
	v27 =	vld [tilespmem:s22+$0x13]  }
0xa2: {  	[tilespmem:s19+$0xFFFFFEA0] =	vst v17;
	v28 =	vld [tilespmem:s22+$0x23]  }
0xa3: {  	v29 =	vld [tilespmem:s22+$0x30];
	[tilespmem:s19+$0x0] =	vst v7  }
0xa4: {  	[tilespmem:s19+$0xFFFFFEB0] =	vst v9;
	v7 =	vld [tilespmem:s22+$0x83]  }
0xa5: {  	[tilespmem:s19+$0xFFFFFEBD] =	vst v18;
	v30 =	vld [tilespmem:s22+$0x93]  }
0xa6: {  	[tilespmem:s19+$0xFFFFFF10] =	vst v8;
	v8 =	vld [tilespmem:s22+$0xA3]  }
0xa7: {  	v31 =	vld [tilespmem:s22+$0xB0];
	[tilespmem:s19+$0x80] =	vst v10  }
0xa8: {  	[tilespmem:s19+$0xFFFFFF20] =	vst v14;
	v14 =	vld [tilespmem:s22+$0x103]  }
0xa9: {  	[tilespmem:s19+$0xFFFFFF30] =	vst v19;
	v15 =	vld [tilespmem:s22+$0x113]  }
0xaa: {  	[tilespmem:s19+$0xFFFFFF3D] =	vst v21;
	v16 =	vld [tilespmem:s22+$0x123]  }
0xab: {  	v17 =	vld [tilespmem:s22+$0x130];
	[tilespmem:s19+$0x100] =	vst v12  }
0xac: {  	[tilespmem:s19+$0xFFFFFF90] =	vst v5;
	v18 =	vld [tilespmem:s22+$0x183]  }
0xad: {  	[tilespmem:s19+$0xFFFFFFA0] =	vst v11;
	v20 =	vld [tilespmem:s22+$0x193]  }
0xae: {  	[tilespmem:s19+$0xFFFFFFB0] =	vst v13;
	v22 =	vld [tilespmem:s22+$0x1A3]  }
0xaf: {  	v23 =	vld [tilespmem:s22+$0x1B0];
	[tilespmem:s19+$0x180] =	vst v26  }
0xb0: {  	[tilespmem:s19+$0xFFFFFFBD] =	vst v24;
	v21 =	vld [tilespmem:s22+$0x203]  }
0xb1: {  	[tilespmem:s19+$0x10] =	vst v25;
	v19 =	vld [tilespmem:s22+$0x213]  }
0xb2: {  	[tilespmem:s19+$0x20] =	vst v27;
	v13 =	vld [tilespmem:s22+$0x223]  }
0xb3: {  	v12 =	vld [tilespmem:s22+$0x230];
	[tilespmem:s19+$0x200] =	vst v6  }
0xb4: {  	[tilespmem:s19+$0x30] =	vst v28;
	v9 =	vld [tilespmem:s22+$0x283]  }
0xb5: {  	[tilespmem:s19+$0x3D] =	vst v29;
	v5 =	vld [tilespmem:s22+$0x293]  }
0xb6: {  	[tilespmem:s19+$0x90] =	vst v7;
	v6 =	vld [tilespmem:s22+$0x2A3]  }
.Ltmp0:
0xb7: {  	v7 =	vld [tilespmem:s22+$0x2B0];
	[tilespmem:s19+$0x280] =	vst v4;
	(pc) =	sbr.rel @p0 .LBB2_3-.Ltmp0, $4  }
0xb8: {  	[tilespmem:s19+$0xA0] =	vst v30;
	v10 =	vld [tilespmem:s22+$0x303]  }
0xb9: {  	[tilespmem:s19+$0xB0] =	vst v8;
	v11 =	vld [tilespmem:s22+$0x313]  }
0xba: {  	[tilespmem:s19+$0xBD] =	vst v31;
	v8 =	vld [tilespmem:s22+$0x323]  }
0xbb: {  	v4 =	vld [tilespmem:s22+$0x330];
	[tilespmem:s19+$0x300] =	vst v3;
	s22 =	sadd.s32 $0x800, s22  }
0xbc: {  	[tilespmem:s19+$0x110] =	vst v14  }
0xbd: {  	[tilespmem:s19+$0x120] =	vst v15  }
0xbe: {  	[tilespmem:s19+$0x130] =	vst v16  }
0xbf: {  	[tilespmem:s19+$0x190] =	vst v18  }
0xc0: {  	[tilespmem:s19+$0x1A0] =	vst v20  }
0xc1: {  	[tilespmem:s19+$0x1B0] =	vst v22  }
0xc2: {  	[tilespmem:s19+$0x210] =	vst v21  }
0xc3: {  	[tilespmem:s20+$0x290] =	vst v9  }
0xc4: {  	[tilespmem:s20+$0x2A0] =	vst v5  }
0xc5: {  	[tilespmem:s20+$0x2B0] =	vst v6  }
0xc6: {  	[tilespmem:s19+$0x13D] =	vst v17  }
0xc7: {  	[tilespmem:s19+$0x1BD] =	vst v23  }
0xc8: {  	[tilespmem:s20+$0x220] =	vst v19  }
0xc9: {  	[tilespmem:s20+$0x230] =	vst v13  }
0xca: {  	[tilespmem:s20+$0x2BD] =	vst v7  }
0xcb: {  	[tilespmem:s20+$0x310] =	vst v10  }
0xcc: {  	[tilespmem:s20+$0x23D] =	vst v12  }
0xcd: {  	[tilespmem:s20+$0x320] =	vst v11  }
0xce: {  	[tilespmem:s20+$0x330] =	vst v8  }
0xcf: {  	s18 =	sadd.s32 s3, s18;
	s17 =	sadd.s32 s17, s4;
	[tilespmem:s20+$0x33D] =	vst v4  }
0xd0: {  	[hbm4b:s18+s2] =	stream.linear.scatter [tilespmem:s10], [sflag:$0x3], $0x8000, $0x38;
	v63 =	vld [tilespmem:$0x0]  }
0xd1: {  	p0 =	seq.s32 s16, $0x31;
	s17 =	sadd.s32 $0x100, s17;
	_ =	swait.ge [sflag:s11], $0x8000  }
0xd2: {  	p1 =	seq.s32 @!p0 s16, $0x0;
	s18 =	sshll.u32 @!p0 s17, $0x4;
	[sflag:s11] =	ssyncset.done $0x0  }
0xd3: {  	s19 =	simm.s32 @!p0 $0x0;
	s18 =	sadd.s32 @!p0 s18, s6;
	[sflag:s11] =	ssyncadd.s32 $0xFFFF8000  }
0xd4: {  	[tilespmem:s19], [sflag:$0x1] =	stream.linear.gather @!p0 [hbm4b:s18+s19], $0x8000, $0x38;
	v63 =	vld [tilespmem:$0x0]  }
0xd5: {  	p0 =	por p0, !p1  }
0xd6: {  	_ =	swait.ge @p0 [sflag:s14], $0x8000  }
0xd7: {  	[sflag:s14] =	ssyncset.done @p0 $0x0  }
0xd8: {  	s31 =	simm.s32 $0x8400;
	[sflag:s14] =	ssyncadd.s32 @p0 $0xFFFF8000  }
0xd9: {  	v3 =	vld [tilespmem:s31+$0x380]  }
0xda: {  	v8 =	vld [tilespmem:s31+$0xFFFFFC80]  }
0xdb: {  	v9 =	vld [tilespmem:s31+$0xFFFFFD00]  }
0xdc: {  	v10 =	vld [tilespmem:s31+$0xFFFFFD80]  }
0xdd: {  	v11 =	vld [tilespmem:s31+$0xFFFFFE00]  }
0xde: {  	v12 =	vld [tilespmem:s31+$0xFFFFFE80]  }
0xdf: {  	v13 =	vld [tilespmem:s31+$0xFFFFFF00]  }
0xe0: {  	v14 =	vld [tilespmem:s31+$0x383]  }
0xe1: {  	v15 =	vld [tilespmem:s31+$0x393]  }
0xe2: {  	v16 =	vld [tilespmem:s31+$0x3A3]  }
0xe3: {  	v17 =	vld [tilespmem:s31+$0x3B0]  }
0xe4: {  	v18 =	vld [tilespmem:s31+$0xFFFFFF80]  }
0xe5: {  	v19 =	vld [tilespmem:s31+$0x0]  }
0xe6: {  	v20 =	vld [tilespmem:s31+$0x80]  }
0xe7: {  	v7 =	vld [tilespmem:s31+$0x100]  }
0xe8: {  	v6 =	vld [tilespmem:s31+$0x180]  }
0xe9: {  	v5 =	vld [tilespmem:s31+$0x200]  }
0xea: {  	v4 =	vld [tilespmem:s31+$0x280]  }
0xeb: {  	v27 =	vld [tilespmem:s31+$0x83]  }
0xec: {  	s18 =	simm.s32 $0x18400;
	v28 =	vld [tilespmem:s31+$0x93]  }
0xed: {  	v29 =	vld [tilespmem:s31+$0xA3];
	[tilespmem:s18+$0x390] =	vst v14  }
0xee: {  	v23 =	vld [tilespmem:s31+$0xFFFFFC00];
	[tilespmem:s18+$0x3A0] =	vst v15  }
0xef: {  	v30 =	vld [tilespmem:s31+$0xB0];
	[tilespmem:s18+$0x3B0] =	vst v16  }
0xf0: {  	v62 =	vld [tilespmem:s31+$0x3];
	v21 =	vperm.xlane v3, v0;
	[tilespmem:s18+$0x90] =	vst v27  }
0xf1: {  	v14 =	vld [tilespmem:s31+$0xFFFFFC23];
	[tilespmem:s18+$0xA0] =	vst v28  }
0xf2: {  	v8 =	vperm.xlane v8, v0;
	v15 =	vld [tilespmem:s31+$0xFFFFFC30];
	[tilespmem:s18+$0xB0] =	vst v29;
	vm1 =	veq.f32 v21, v1  }
0xf3: {  	v16 =	vld [tilespmem:s31+$0xFFFFFC83];
	v23 =	vperm.xlane v23, v0;
	[tilespmem:s18+$0x3BD] =	vst v17;
	v22 =	vsel vm1, $0x3F800000, v2  }
0xf4: {  	[tilespmem:s18+$0xBD] =	vst v30;
	vm1 =	veq.f32 v8, v1;
	v21 =	vsel vm0, v22, v21;
	v22 =	vld [tilespmem:s31+$0xFFFFFC03]  }
0xf5: {  	v24 =	vsel vm1, $0x3F800000, v2;
	vm1 =	veq.f32 v23, v1;
	[tilespmem:s18+$0x380] =	vst v21;
	v21 =	vld [tilespmem:s31+$0xFFFFFC13]  }
0xf6: {  	v17 =	vld [tilespmem:s31+$0xFFFFFC93];
	v55 =	vsel vm1, $0x3F800000, v2;
	[tilespmem:s18+$0xFFFFFC30] =	vst v14  }
0xf7: {  	v9 =	vperm.xlane v9, v0;
	v14 =	vld [tilespmem:s31+$0xFFFFFD13];
	v23 =	vsel vm0, v55, v23;
	[tilespmem:s18+$0xFFFFFC3D] =	vst v15  }
0xf8: {  	v15 =	vld [tilespmem:s31+$0xFFFFFD30];
	[tilespmem:s18+$0xFFFFFC00] =	vst v23  }
0xf9: {  	vm1 =	veq.f32 v9, v1;
	v23 =	vld [tilespmem:s31+$0xFFFFFD23];
	[tilespmem:s18+$0xFFFFFC10] =	vst v22  }
0xfa: {  	v8 =	vsel vm0, v24, v8;
	v56 =	vsel vm1, $0x3F800000, v2;
	v22 =	vld [tilespmem:s31+$0xFFFFFCA3];
	[tilespmem:s18+$0xFFFFFC20] =	vst v21  }
0xfb: {  	v9 =	vsel vm0, v56, v9;
	v21 =	vld [tilespmem:s31+$0xFFFFFCB0];
	[tilespmem:s18+$0xFFFFFC80] =	vst v8  }
0xfc: {  	v8 =	vld [tilespmem:s31+$0xFFFFFD03];
	[tilespmem:s18+$0xFFFFFD00] =	vst v9  }
0xfd: {  	v9 =	vld [tilespmem:s31+$0xFFFFFD83];
	[tilespmem:s18+$0xFFFFFC90] =	vst v16  }
0xfe: {  	v10 =	vperm.xlane v10, v0;
	v16 =	vld [tilespmem:s31+$0xFFFFFD93];
	[tilespmem:s18+$0xFFFFFCA0] =	vst v17  }
0xff: {  	v17 =	vld [tilespmem:s31+$0xFFFFFDA3];
	[tilespmem:s18+$0xFFFFFD20] =	vst v14  }
0x100: {  	vm1 =	veq.f32 v10, v1;
	v14 =	vld [tilespmem:s31+$0xFFFFFE30];
	[tilespmem:s18+$0xFFFFFD30] =	vst v23  }
0x101: {  	v11 =	vperm.xlane v11, v0;
	v57 =	vsel vm1, $0x3F800000, v2;
	v23 =	vld [tilespmem:s31+$0xFFFFFE93];
	[tilespmem:s18+$0xFFFFFD3D] =	vst v15  }
0x102: {  	v10 =	vsel vm0, v57, v10;
	v15 =	vld [tilespmem:s31+$0xFFFFFEA3];
	[tilespmem:s18+$0xFFFFFCB0] =	vst v22  }
0x103: {  	v12 =	vperm.xlane v12, v0;
	vm1 =	veq.f32 v11, v1;
	v22 =	vld [tilespmem:s31+$0xFFFFFDB0];
	[tilespmem:s18+$0xFFFFFD80] =	vst v10  }
0x104: {  	v58 =	vsel vm1, $0x3F800000, v2;
	v10 =	vld [tilespmem:s31+$0xFFFFFE03];
	[tilespmem:s18+$0xFFFFFCBD] =	vst v21  }
0x105: {  	vm1 =	veq.f32 v12, v1;
	v11 =	vsel vm0, v58, v11;
	v21 =	vld [tilespmem:s31+$0xFFFFFE13];
	[tilespmem:s18+$0xFFFFFD10] =	vst v8  }
0x106: {  	v59 =	vsel vm1, $0x3F800000, v2;
	v8 =	vld [tilespmem:s31+$0xFFFFFE23];
	[tilespmem:s18+$0xFFFFFE00] =	vst v11  }
0x107: {  	v12 =	vsel vm0, v59, v12;
	v11 =	vld [tilespmem:s31+$0xFFFFFE83];
	[tilespmem:s18+$0xFFFFFD90] =	vst v9  }
0x108: {  	v9 =	vld [tilespmem:s31+$0xFFFFFEB0];
	[tilespmem:s18+$0xFFFFFE80] =	vst v12  }
0x109: {  	v25 =	vld [tilespmem:s31+$0x13];
	v13 =	vperm.xlane v13, v0;
	[tilespmem:s18+$0xFFFFFDA0] =	vst v16  }
0x10a: {  	v26 =	vld [tilespmem:s31+$0x30];
	[tilespmem:s18+$0xFFFFFDB0] =	vst v17  }
0x10b: {  	vm1 =	veq.f32 v13, v1;
	v12 =	vld [tilespmem:s31+$0xFFFFFF03];
	[tilespmem:s18+$0xFFFFFEA0] =	vst v23  }
0x10c: {  	v60 =	vsel vm1, $0x3F800000, v2;
	v16 =	vld [tilespmem:s31+$0xFFFFFF13];
	[tilespmem:s18+$0xFFFFFEB0] =	vst v15  }
0x10d: {  	v18 =	vperm.xlane v18, v0;
	v13 =	vsel vm0, v60, v13;
	v17 =	vld [tilespmem:s31+$0xFFFFFF23];
	[tilespmem:s18+$0xFFFFFDBD] =	vst v22  }
0x10e: {  	v22 =	vld [tilespmem:s31+$0xFFFFFF30];
	[tilespmem:s18+$0xFFFFFF00] =	vst v13  }
0x10f: {  	vm1 =	veq.f32 v18, v1;
	v13 =	vld [tilespmem:s31+$0xFFFFFF83];
	[tilespmem:s18+$0xFFFFFE10] =	vst v10  }
0x110: {  	v61 =	vsel vm1, $0x3F800000, v2;
	v10 =	vld [tilespmem:s31+$0xFFFFFF93];
	[tilespmem:s18+$0xFFFFFE20] =	vst v21  }
0x111: {  	v18 =	vsel vm0, v61, v18;
	v21 =	vld [tilespmem:s31+$0xFFFFFFA3];
	[tilespmem:s18+$0xFFFFFE30] =	vst v8  }
0x112: {  	v8 =	vld [tilespmem:s31+$0xFFFFFFB0];
	[tilespmem:s18+$0xFFFFFF80] =	vst v18  }
0x113: {  	v3 =	vld [tilespmem:s31+$0x300];
	[tilespmem:s18+$0xFFFFFE90] =	vst v11  }
0x114: {  	v23 =	vld [tilespmem:s31+$0x1B0];
	[tilespmem:s18+$0xFFFFFEBD] =	vst v9  }
0x115: {  	v15 =	vld [tilespmem:s31+$0x113];
	[tilespmem:s18+$0xFFFFFF10] =	vst v12  }
0x116: {  	v19 =	vperm.xlane v19, v0;
	v11 =	vld [tilespmem:s31+$0x23];
	[tilespmem:s18+$0xFFFFFF20] =	vst v16  }
0x117: {  	[tilespmem:s18+$0xFFFFFF30] =	vst v17;
	v16 =	vld [tilespmem:s31+$0x123]  }
0x118: {  	vm1 =	veq.f32 v19, v1;
	v18 =	vperm.xlane v20, v0;
	v17 =	vld [tilespmem:s31+$0x130];
	[tilespmem:s18+$0x10] =	vst v62  }
0x119: {  	v20 =	vld [tilespmem:s31+$0x193];
	[tilespmem:s18+$0xFFFFFE3D] =	vst v14;
	v14 =	vsel vm1, $0x3F800000, v2  }
0x11a: {  	[tilespmem:s18+$0x20] =	vst v25;
	v12 =	vld [tilespmem:s31+$0x230];
	v14 =	vsel vm0, v14, v19;
	vm1 =	veq.f32 v18, v1  }
0x11b: {  	v19 =	vld [tilespmem:s31+$0x213];
	[tilespmem:s18+$0x0] =	vst v14;
	v14 =	vsel vm1, $0x3F800000, v2  }
0x11c: {  	v7 =	vperm.xlane v7, v0;
	v9 =	vsel vm0, v14, v18;
	v14 =	vld [tilespmem:s31+$0x103];
	[tilespmem:s18+$0xFFFFFF3D] =	vst v22  }
0x11d: {  	v18 =	vld [tilespmem:s31+$0x183];
	[tilespmem:s18+$0xFFFFFF90] =	vst v13  }
0x11e: {  	v6 =	vperm.xlane v6, v0;
	vm1 =	veq.f32 v7, v1;
	[tilespmem:s18+$0xFFFFFFA0] =	vst v10;
	v22 =	vld [tilespmem:s31+$0x1A3]  }
0x11f: {  	v13 =	vld [tilespmem:s31+$0x223];
	[tilespmem:s18+$0x80] =	vst v9;
	v9 =	vsel vm1, $0x3F800000, v2  }
0x120: {  	v5 =	vperm.xlane v5, v0;
	v10 =	vld [tilespmem:s31+$0x303];
	vm1 =	veq.f32 v6, v1;
	[tilespmem:s18+$0xFFFFFFB0] =	vst v21;
	v7 =	vsel vm0, v9, v7  }
0x121: {  	v4 =	vperm.xlane v4, v0;
	v21 =	vld [tilespmem:s31+$0x203];
	[tilespmem:s18+$0x100] =	vst v7;
	v7 =	vsel vm1, $0x3F800000, v2  }
0x122: {  	[tilespmem:s18+$0x30] =	vst v11;
	v11 =	vld [tilespmem:s31+$0x313];
	vm1 =	veq.f32 v5, v1;
	v6 =	vsel vm0, v7, v6  }
0x123: {  	v3 =	vperm.xlane v3, v0;
	v9 =	vld [tilespmem:s31+$0x283];
	[tilespmem:s18+$0x180] =	vst v6;
	v6 =	vsel vm1, $0x3F800000, v2;
	vm1 =	veq.f32 v4, v1  }
0x124: {  	[tilespmem:s18+$0xFFFFFFBD] =	vst v8;
	v5 =	vsel vm0, v6, v5;
	v7 =	vsel vm1, $0x3F800000, v2;
	v6 =	vld [tilespmem:s31+$0x2A3]  }
0x125: {  	vm1 =	veq.f32 v3, v1;
	[tilespmem:s18+$0x200] =	vst v5;
	v5 =	vld [tilespmem:s31+$0x293];
	v4 =	vsel vm0, v7, v4  }
0x126: {  	v7 =	vld [tilespmem:s31+$0x2B0];
	[tilespmem:s18+$0x280] =	vst v4;
	v4 =	vsel vm1, $0x3F800000, v2  }
0x127: {  	[tilespmem:s18+$0x3D] =	vst v26;
	v8 =	vld [tilespmem:s31+$0x323];
	v3 =	vsel vm0, v4, v3  }
0x128: {  	s21 =	simm.s32 $0x8C00;
	s20 =	simm.s32 $0x0;
	s19 =	simm.s32 $0x18400;
	v4 =	vld [tilespmem:s31+$0x330];
	[tilespmem:s18+$0x300] =	vst v3  }
.LBB2_5:
0x129: {  	v3 =	vld [tilespmem:s21+$0x380];
	s20 =	sadd.s32 $0x10, s20;
	[tilespmem:s18+$0x110] =	vst v14  }
0x12a: {  	v14 =	vld [tilespmem:s21+$0xFFFFFC80];
	p0 =	slt.u32 s20, $0xF0;
	[tilespmem:s18+$0x120] =	vst v15  }
0x12b: {  	v15 =	vld [tilespmem:s21+$0xFFFFFD00];
	[tilespmem:s18+$0x130] =	vst v16  }
0x12c: {  	v16 =	vld [tilespmem:s21+$0xFFFFFD80];
	[tilespmem:s18+$0x13D] =	vst v17  }
0x12d: {  	v17 =	vld [tilespmem:s21+$0xFFFFFE00];
	[tilespmem:s18+$0x190] =	vst v18  }
0x12e: {  	v18 =	vld [tilespmem:s21+$0xFFFFFE80];
	v3 =	vperm.xlane v3, v0;
	[tilespmem:s18+$0x1A0] =	vst v20  }
0x12f: {  	v14 =	vperm.xlane v14, v0;
	v20 =	vld [tilespmem:s21+$0xFFFFFF00];
	[tilespmem:s18+$0x1B0] =	vst v22  }
0x130: {  	v15 =	vperm.xlane v15, v0;
	v22 =	vld [tilespmem:s21+$0x383];
	vm1 =	veq.f32 v3, v1;
	[tilespmem:s18+$0x1BD] =	vst v23  }
0x131: {  	vm2 =	veq.f32 v14, v1;
	v16 =	vperm.xlane v16, v0;
	v23 =	vld [tilespmem:s21+$0x393];
	v24 =	vsel vm1, $0x3F800000, v2;
	[tilespmem:s18+$0x210] =	vst v21  }
0x132: {  	s18 =	sadd.s32 $0x800, s18;
	vm1 =	veq.f32 v15, v1;
	v17 =	vperm.xlane v17, v0;
	v21 =	vld [tilespmem:s21+$0x3A3];
	v3 =	vsel vm0, v24, v3;
	[tilespmem:s19+$0x220] =	vst v19  }
0x133: {  	v19 =	vsel vm2, $0x3F800000, v2;
	vm2 =	veq.f32 v16, v1;
	v18 =	vperm.xlane v18, v0;
	v24 =	vld [tilespmem:s21+$0x3B0];
	[tilespmem:s18+$0x380] =	vst v3  }
0x134: {  	v3 =	vsel vm1, $0x3F800000, v2;
	vm1 =	veq.f32 v17, v1;
	v20 =	vperm.xlane v20, v0;
	v25 =	vld [tilespmem:s21+$0xFFFFFF80];
	[tilespmem:s19+$0x230] =	vst v13  }
0x135: {  	v13 =	vsel vm2, $0x3F800000, v2;
	v26 =	vsel vm1, $0x3F800000, v2;
	vm1 =	veq.f32 v18, v1;
	v27 =	vld [tilespmem:s21+$0x0];
	[tilespmem:s19+$0x23D] =	vst v12  }
0x136: {  	v12 =	vsel vm0, v19, v14;
	v14 =	vsel vm1, $0x3F800000, v2;
	vm1 =	veq.f32 v20, v1;
	v19 =	vld [tilespmem:s21+$0x80];
	[tilespmem:s19+$0x290] =	vst v9  }
0x137: {  	v13 =	vsel vm0, v13, v16;
	v9 =	vsel vm0, v3, v15;
	v3 =	vsel vm1, $0x3F800000, v2;
	v15 =	vld [tilespmem:s21+$0x100];
	[tilespmem:s19+$0x2A0] =	vst v5  }
0x138: {  	v16 =	vsel vm0, v26, v17;
	v14 =	vsel vm0, v14, v18;
	v5 =	vsel vm0, v3, v20;
	v3 =	vld [tilespmem:s21+$0x180];
	[tilespmem:s19+$0x2B0] =	vst v6  }
0x139: {  	v6 =	vperm.xlane v25, v0;
	v17 =	vld [tilespmem:s21+$0x200];
	[tilespmem:s19+$0x2BD] =	vst v7  }
0x13a: {  	v7 =	vperm.xlane v27, v0;
	v18 =	vld [tilespmem:s21+$0x280];
	[tilespmem:s19+$0x310] =	vst v10  }
0x13b: {  	vm1 =	veq.f32 v6, v1;
	v10 =	vperm.xlane v19, v0;
	v19 =	vld [tilespmem:s21+$0x300];
	[tilespmem:s19+$0x320] =	vst v11  }
0x13c: {  	v11 =	vld [tilespmem:s21+$0xFFFFFC00];
	v20 =	vsel vm1, $0x3F800000, v2;
	vm1 =	veq.f32 v7, v1;
	v15 =	vperm.xlane v15, v0;
	[tilespmem:s19+$0x330] =	vst v8  }
0x13d: {  	v8 =	vld [tilespmem:s21+$0xFFFFFC03];
	v25 =	vsel vm1, $0x3F800000, v2;
	vm1 =	veq.f32 v10, v1;
	v3 =	vperm.xlane v3, v0;
	[tilespmem:s19+$0x33D] =	vst v4;
	s19 =	smov.u32 s18  }
0x13e: {  	v4 =	vld [tilespmem:s21+$0xFFFFFC13];
	v26 =	vsel vm1, $0x3F800000, v2;
	vm1 =	veq.f32 v15, v1;
	v17 =	vperm.xlane v17, v0;
	[tilespmem:s18+$0x390] =	vst v22  }
0x13f: {  	v22 =	vld [tilespmem:s21+$0xFFFFFC23];
	v27 =	vsel vm1, $0x3F800000, v2;
	vm1 =	veq.f32 v3, v1;
	v18 =	vperm.xlane v18, v0;
	[tilespmem:s18+$0x3A0] =	vst v23  }
0x140: {  	v23 =	vld [tilespmem:s21+$0xFFFFFC30];
	v28 =	vsel vm1, $0x3F800000, v2;
	vm1 =	veq.f32 v17, v1;
	v19 =	vperm.xlane v19, v0;
	[tilespmem:s18+$0x3B0] =	vst v21  }
0x141: {  	v11 =	vperm.xlane v11, v0;
	v21 =	vld [tilespmem:s21+$0xFFFFFC83];
	v29 =	vsel vm1, $0x3F800000, v2;
	vm1 =	veq.f32 v18, v1;
	[tilespmem:s18+$0x3BD] =	vst v24  }
0x142: {  	v20 =	vsel vm0, v20, v6;
	[tilespmem:s18+$0xFFFFFC10] =	vst v8;
	v8 =	vld [tilespmem:s21+$0xFFFFFC93];
	v24 =	vsel vm1, $0x3F800000, v2;
	vm1 =	veq.f32 v19, v1  }
0x143: {  	v7 =	vsel vm0, v25, v7;
	vm2 =	veq.f32 v11, v1;
	[tilespmem:s18+$0xFFFFFC20] =	vst v4;
	v30 =	vld [tilespmem:s21+$0xFFFFFCA3];
	v25 =	vsel vm1, $0x3F800000, v2  }
0x144: {  	v10 =	vsel vm0, v26, v10;
	v4 =	vsel vm2, $0x3F800000, v2;
	v31 =	vld [tilespmem:s21+$0xFFFFFCB0];
	[tilespmem:s18+$0xFFFFFC80] =	vst v12;
	v12 =	vsel vm0, v27, v15  }
0x145: {  	v26 =	vsel vm0, v28, v3;
	v6 =	vsel vm0, v29, v17;
	v4 =	vsel vm0, v4, v11;
	[tilespmem:s18+$0xFFFFFC30] =	vst v22;
	v11 =	vld [tilespmem:s21+$0xFFFFFD03]  }
0x146: {  	v3 =	vsel vm0, v25, v19;
	[tilespmem:s18+$0xFFFFFC00] =	vst v4;
	v15 =	vld [tilespmem:s21+$0xFFFFFD13];
	v4 =	vsel vm0, v24, v18  }
0x147: {  	[tilespmem:s18+$0xFFFFFC3D] =	vst v23;
	v17 =	vld [tilespmem:s21+$0xFFFFFD23]  }
0x148: {  	v18 =	vld [tilespmem:s21+$0xFFFFFD30];
	[tilespmem:s18+$0xFFFFFD00] =	vst v9  }
0x149: {  	[tilespmem:s18+$0xFFFFFC90] =	vst v21;
	v9 =	vld [tilespmem:s21+$0xFFFFFD83]  }
0x14a: {  	[tilespmem:s18+$0xFFFFFCA0] =	vst v8;
	v8 =	vld [tilespmem:s21+$0xFFFFFD93]  }
0x14b: {  	[tilespmem:s18+$0xFFFFFCB0] =	vst v30;
	v19 =	vld [tilespmem:s21+$0xFFFFFDA3]  }
0x14c: {  	v21 =	vld [tilespmem:s21+$0xFFFFFDB0];
	[tilespmem:s18+$0xFFFFFD80] =	vst v13  }
0x14d: {  	[tilespmem:s18+$0xFFFFFCBD] =	vst v31;
	v13 =	vld [tilespmem:s21+$0xFFFFFE03]  }
0x14e: {  	[tilespmem:s18+$0xFFFFFD10] =	vst v11;
	v11 =	vld [tilespmem:s21+$0xFFFFFE13]  }
0x14f: {  	[tilespmem:s18+$0xFFFFFD20] =	vst v15;
	v15 =	vld [tilespmem:s21+$0xFFFFFE23]  }
0x150: {  	v22 =	vld [tilespmem:s21+$0xFFFFFE30];
	[tilespmem:s18+$0xFFFFFE00] =	vst v16  }
0x151: {  	[tilespmem:s18+$0xFFFFFD30] =	vst v17;
	v16 =	vld [tilespmem:s21+$0xFFFFFE83]  }
0x152: {  	[tilespmem:s18+$0xFFFFFD3D] =	vst v18;
	v17 =	vld [tilespmem:s21+$0xFFFFFE93]  }
0x153: {  	[tilespmem:s18+$0xFFFFFD90] =	vst v9;
	v9 =	vld [tilespmem:s21+$0xFFFFFEA3]  }
0x154: {  	v18 =	vld [tilespmem:s21+$0xFFFFFEB0];
	[tilespmem:s18+$0xFFFFFE80] =	vst v14  }
0x155: {  	[tilespmem:s18+$0xFFFFFDA0] =	vst v8;
	v8 =	vld [tilespmem:s21+$0xFFFFFF03]  }
0x156: {  	[tilespmem:s18+$0xFFFFFDB0] =	vst v19;
	v14 =	vld [tilespmem:s21+$0xFFFFFF13]  }
0x157: {  	[tilespmem:s18+$0xFFFFFDBD] =	vst v21;
	v19 =	vld [tilespmem:s21+$0xFFFFFF23]  }
0x158: {  	v21 =	vld [tilespmem:s21+$0xFFFFFF30];
	[tilespmem:s18+$0xFFFFFF00] =	vst v5  }
0x159: {  	[tilespmem:s18+$0xFFFFFE10] =	vst v13;
	v5 =	vld [tilespmem:s21+$0xFFFFFF83]  }
0x15a: {  	[tilespmem:s18+$0xFFFFFE20] =	vst v11;
	v11 =	vld [tilespmem:s21+$0xFFFFFF93]  }
0x15b: {  	[tilespmem:s18+$0xFFFFFE30] =	vst v15;
	v13 =	vld [tilespmem:s21+$0xFFFFFFA3]  }
0x15c: {  	v24 =	vld [tilespmem:s21+$0xFFFFFFB0];
	[tilespmem:s18+$0xFFFFFF80] =	vst v20  }
0x15d: {  	[tilespmem:s18+$0xFFFFFE3D] =	vst v22;
	v25 =	vld [tilespmem:s21+$0x3]  }
0x15e: {  	[tilespmem:s18+$0xFFFFFE90] =	vst v16;
	v27 =	vld [tilespmem:s21+$0x13]  }
0x15f: {  	[tilespmem:s18+$0xFFFFFEA0] =	vst v17;
	v28 =	vld [tilespmem:s21+$0x23]  }
0x160: {  	v29 =	vld [tilespmem:s21+$0x30];
	[tilespmem:s18+$0x0] =	vst v7  }
0x161: {  	[tilespmem:s18+$0xFFFFFEB0] =	vst v9;
	v7 =	vld [tilespmem:s21+$0x83]  }
0x162: {  	[tilespmem:s18+$0xFFFFFEBD] =	vst v18;
	v30 =	vld [tilespmem:s21+$0x93]  }
0x163: {  	[tilespmem:s18+$0xFFFFFF10] =	vst v8;
	v8 =	vld [tilespmem:s21+$0xA3]  }
0x164: {  	v31 =	vld [tilespmem:s21+$0xB0];
	[tilespmem:s18+$0x80] =	vst v10  }
0x165: {  	[tilespmem:s18+$0xFFFFFF20] =	vst v14;
	v14 =	vld [tilespmem:s21+$0x103]  }
0x166: {  	[tilespmem:s18+$0xFFFFFF30] =	vst v19;
	v15 =	vld [tilespmem:s21+$0x113]  }
0x167: {  	[tilespmem:s18+$0xFFFFFF3D] =	vst v21;
	v16 =	vld [tilespmem:s21+$0x123]  }
0x168: {  	v17 =	vld [tilespmem:s21+$0x130];
	[tilespmem:s18+$0x100] =	vst v12  }
0x169: {  	[tilespmem:s18+$0xFFFFFF90] =	vst v5;
	v18 =	vld [tilespmem:s21+$0x183]  }
0x16a: {  	[tilespmem:s18+$0xFFFFFFA0] =	vst v11;
	v20 =	vld [tilespmem:s21+$0x193]  }
0x16b: {  	[tilespmem:s18+$0xFFFFFFB0] =	vst v13;
	v22 =	vld [tilespmem:s21+$0x1A3]  }
0x16c: {  	v23 =	vld [tilespmem:s21+$0x1B0];
	[tilespmem:s18+$0x180] =	vst v26  }
0x16d: {  	[tilespmem:s18+$0xFFFFFFBD] =	vst v24;
	v21 =	vld [tilespmem:s21+$0x203]  }
0x16e: {  	[tilespmem:s18+$0x10] =	vst v25;
	v19 =	vld [tilespmem:s21+$0x213]  }
0x16f: {  	[tilespmem:s18+$0x20] =	vst v27;
	v13 =	vld [tilespmem:s21+$0x223]  }
0x170: {  	v12 =	vld [tilespmem:s21+$0x230];
	[tilespmem:s18+$0x200] =	vst v6  }
0x171: {  	[tilespmem:s18+$0x30] =	vst v28;
	v9 =	vld [tilespmem:s21+$0x283]  }
0x172: {  	[tilespmem:s18+$0x3D] =	vst v29;
	v5 =	vld [tilespmem:s21+$0x293]  }
0x173: {  	[tilespmem:s18+$0x90] =	vst v7;
	v6 =	vld [tilespmem:s21+$0x2A3]  }
.Ltmp1:
0x174: {  	v7 =	vld [tilespmem:s21+$0x2B0];
	[tilespmem:s18+$0x280] =	vst v4;
	(pc) =	sbr.rel @p0 .LBB2_5-.Ltmp1, $4  }
0x175: {  	[tilespmem:s18+$0xA0] =	vst v30;
	v10 =	vld [tilespmem:s21+$0x303]  }
0x176: {  	[tilespmem:s18+$0xB0] =	vst v8;
	v11 =	vld [tilespmem:s21+$0x313]  }
0x177: {  	[tilespmem:s18+$0xBD] =	vst v31;
	v8 =	vld [tilespmem:s21+$0x323]  }
0x178: {  	v4 =	vld [tilespmem:s21+$0x330];
	[tilespmem:s18+$0x300] =	vst v3;
	s21 =	sadd.s32 $0x800, s21  }
0x179: {  	[tilespmem:s18+$0x110] =	vst v14  }
0x17a: {  	[tilespmem:s18+$0x120] =	vst v15  }
0x17b: {  	[tilespmem:s18+$0x130] =	vst v16  }
0x17c: {  	[tilespmem:s18+$0x190] =	vst v18  }
0x17d: {  	[tilespmem:s18+$0x1A0] =	vst v20  }
0x17e: {  	[tilespmem:s18+$0x1B0] =	vst v22  }
0x17f: {  	[tilespmem:s18+$0x210] =	vst v21  }
0x180: {  	[tilespmem:s19+$0x290] =	vst v9  }
0x181: {  	[tilespmem:s19+$0x2A0] =	vst v5  }
0x182: {  	[tilespmem:s19+$0x2B0] =	vst v6  }
0x183: {  	[tilespmem:s18+$0x13D] =	vst v17  }
0x184: {  	[tilespmem:s18+$0x1BD] =	vst v23  }
0x185: {  	[tilespmem:s19+$0x220] =	vst v19  }
0x186: {  	[tilespmem:s19+$0x230] =	vst v13  }
0x187: {  	s16 =	sadd.s32 $0x1, s16;
	[tilespmem:s19+$0x2BD] =	vst v7  }
0x188: {  	[tilespmem:s19+$0x310] =	vst v10;
	p0 =	sne.s32 s16, $0x32  }
.Ltmp2:
0x189: {  	[tilespmem:s19+$0x23D] =	vst v12;
	(pc) =	sbr.rel @p0 .LBB2_2-.Ltmp2, $4  }
0x18a: {  	[tilespmem:s19+$0x320] =	vst v11  }
0x18b: {  	s17 =	sshll.u32 s17, $0x4;
	[tilespmem:s19+$0x330] =	vst v8  }
0x18c: {  	s17 =	sadd.s32 s3, s17;
	[tilespmem:s19+$0x33D] =	vst v4  }
0x18d: {  	[hbm4b:s17+s2] =	stream.linear.scatter [tilespmem:s12], [sflag:$0x4], $0x8000, $0x38;
	v63 =	vld [tilespmem:$0x0]  }
0x18e: {  	s15 =	sadd.s32 $0x1, s15  }
0x18f: {  	_ =	swait.ge [sflag:s13], $0x8000;
	p0 =	sne.s32 s15, s7  }
.Ltmp3:
0x190: {  	[sflag:s13] =	ssyncset.done $0x0;
	(pc) =	sbr.rel @p0 .LBB2_1-.Ltmp3, $4  }
0x191: {  	[sflag:s13] =	ssyncadd.s32 $0xFFFF8000  }
0x192: {  	_ =	swait.ge [sflag:s14], $0x8000  }
0x193: {  	[sflag:s14] =	ssyncset.done $0x0  }
0x194: {  	[sflag:s14] =	ssyncadd.s32 $0xFFFF8000  }
0x195: {  	_ =	sfence.sel $0x180000  }
0x196: {  	[bflag:$0x0] =	sbarrier.arrive $0xFFFF  }
0x197: {  	p0 =	sne.s32 s0, $0x0;
	_ =	strace $0x90000047  }
0x198: {  	s0 =	sadd.s32 @!p0 $0x100000, s1;
	[bflag:$0x2] =	sbarrier.arrive $0xFFFF  }
0x199: {  	[sflag:s0] =	ssyncadd.tile.s32 @!p0 $0x1;
	_ =	shalt  }
.Lfunc_end2:
_tile_overlayer_lowered:
.L_overlay_start_2:
0x19a: {  	(tag) =	ssettag $0x2  }
0x19b: {  	s0 =	rddreg [dreg:$0x0];
	s2 =	stileid.u32  }
0x19c: {  	s1 =	rddreg [dreg:$0x1];
	p0 =	sne.s32 s2, $0x0  }
0x19d: {  	s3 =	rddreg [dreg:$0x2];
	[bflag:$0x3] =	sbarrier.arrive $0xFFFF;
	s2 =	simm.s32 @!p0 $0x1C05  }
0x19e: {  	[timem:s3], [sflag:s2] =	dma.local @!p0 [hbm:s0], s1  }
0x19f: {  	s0 =	simm.s32 @!p0 $0x5  }
0x1a0: {  	_ =	swait.ge @!p0 [sflag:s0], s1  }
0x1a1: {  	s1 =	ssub.s32 @!p0 $0x0, s1;
	[sflag:s0] =	ssyncset.done @!p0 $0x0  }
0x1a2: {  	[sflag:s0] =	ssyncadd.s32 @!p0 s1  }
0x1a3: {  	[bflag:$0x3] =	sbarrier.arrive $0xFFFF  }
0x1a4: {  	_ =	shalt  }

// kernel: sparse-core-data-format-call.cloned.1.call-start
scs
called_computation_lowered:
.L_overlay_start_0:
0x0: {  	s2 =	sld [smem:$0x3FD9]  }
0x1: {  	s3 =	sld [smem:$0x3FFE];
	_ =	sdelay $0x1  }
0x2: {  	s1 =	srdreg.scid  }
0x3: {  	s0 =	sand.u32 $0x1, s1  }
0x4: {  	s18 =	sshll.u32 s0, $0xA;
	s2 =	sadd.s32 s3, s2  }
0x5: {  	s2 =	sadd.s32 s2, s18  }
0x6: {  	[smem:$0x3FC7] =	sst s2  }
0x7: {  	_ = 	snop  }
0x8: {  	s2 =	sld [smem:$0x3FD0];
	(tm) =	ssettm $0x1  }
0x9: {  	s19 =	sld [smem:$0x3FFB];
	_ =	sdelay $0x3  }
0xa: {  	_ =	strace s19  }
0xb: {  	s3 =	sld [smem:$0x3FFC];
	_ =	sdelay $0x3  }
0xc: {  	_ =	strace s3  }
0xd: {  	s3 =	sld [smem:$0x3FFD];
	_ =	sdelay $0x3  }
0xe: {  	_ =	strace s3  }
0xf: {  	_ =	strace $0x8FFFFFFF  }
0x10: {  	s20 =	sld [smem:$0x3FDB];
	_ =	sdelay $0x1  }
0x11: {  	s4 =	simm.s32 $_scs_section_size  }
0x12: {  	s5 =	simm.s32 $_size__tile_overlayer_lowered;
	s6 =	simm.s32 $_tile_overlayer_lowered  }
0x13: {  	s23 =	simm.s32 $0x1BFF;
	s22 =	sshll.u32 s6, $0x1;
	s3 =	sadd.s32 s4, s20  }
0x14: {  	s7 =	simm.s32 $0x0;
	s21 =	sshll.u32 s5, $0x1;
	s5 =	sadd.s32 s22, s3  }
0x15: {  	[timem:s7], [sflag:s23] =	dma.local [hbm:s5], s21  }
0x16: {  	_ =	swait.ge [sflag:s23], s21  }
0x17: {  	s4 =	ssub.s32 $0x0, s21;
	[sflag:s23] =	ssyncset.done $0x0  }
0x18: {  	[sflag:s23] =	ssyncadd.s32 s4;
	_ =	sdelay $0x1  }
0x19: {  	s24 =	simm.s32 $0x1B8B  }
0x1a: {  	_ =	swait.ge [sflag:s24], $0x1  }
0x1b: {  	[sflag:s24] =	ssyncset.done $0x0  }
0x1c: {  	s26 =	simm.s32 $0x1B8E;
	s25 =	sld [smem:$0x3FFE];
	[sflag:s24] =	ssyncadd.s32 $0xFFFFFFFF  }
0x1d: {  	s27 =	simm.s32 $execute0_lowered;
	[smem:$0x3FD2] =	sst s26  }
0x1e: {  	s5 =	sshll.u32 s27, $0x1;
	_ =	strace $0x80000049;
	[dreg:$0x1] =	wrdreg $0xFFFFFFFF  }
0x1f: {  	s28 =	simm.s32 $_size_execute0_lowered;
	s3 =	sadd.s32 s3, s5;
	[dreg:$0x0] =	wrdreg $0x0  }
0x20: {  	s5 =	sshll.u32 s28, $0x1;
	[dreg:$0x2] =	wrdreg s3  }
0x21: {  	[dreg:$0x3] =	wrdreg s5  }
0x22: {  	[dreg:$0x4] =	wrdreg $0xC0  }
0x23: {  	_ =	task [dreg:s7], $0x5FFFF  }
0x24: {  	[dreg:$0x1] =	wrdreg $0xFFFFFFFF  }
0x25: {  	[dreg:$0x0] =	wrdreg $0x60  }
0x26: {  	[dreg:$0x2] =	wrdreg s25  }
0x27: {  	[dreg:$0x3] =	wrdreg s2  }
0x28: {  	[dreg:$0x4] =	wrdreg $0x9  }
0x29: {  	_ =	task.clear_ibuf [dreg:s7], $0x5FFFF;
	_ =	strace $0x90000049  }
0x2a: {  	s29 =	simm.s32 $0x9;
	_ =	strace $0x8000004B  }
0x2b: {  	_ =	swait.ge [sflag:s29], $0x1  }
0x2c: {  	[sflag:s29] =	ssyncadd.s32 $0xFFFFFFFF  }
0x2d: {  	_ =	strace $0x9000004B  }
0x2e: {  	_ =	sfence  }
0x2f: {  	s30 =	sld [smem:$0x0];
	_ =	sdelay $0x2  }
0x30: {  	s31 =	sshll.u32 s1, $0xD;
	s1 =	sshrl.u32 s1, $0x2  }
0x31: {  	s3 =	sand.u32 $0x4000, s31;
	s1 =	sadd.s32 s1, s30  }
0x32: {  	s0 =	sor.u32 s3, s0;
	s1 =	sshll.u32 s1, $0x11  }
0x33: {  	s0 =	sor.u32 s1, s0  }
0x34: {  	s0 =	sadd.s32 $0x8F2B, s0  }
0x35: {  	[sflag:s0] =	ssyncadd.remote.s32 $0x1  }
0x36: {  	_ =	sfence.sel $0xFFFF  }
0x37: {  	[dreg:$0x0] =	wrdreg $0xFFFFFFFF;
	(pc) =	sbr.abs _section_cstart, $3  }
0x38: {  	[dreg:$0x1] =	wrdreg $0xFFFFFFFF  }
0x39: {  	_ =	task.clear_ibuf [dreg:s7], $0x2FFFF;
	_ =	strace $0x9FFFFFFF  }
0x3a: {  	(tm) =	ssettm $0x7FFFFFFF  }
0x3b: {  	_ =	shalt  }
tec
execute0_lowered:
.L_overlay_start_1:
0x0: {  	(tag) =	ssettag $0x1  }
0x1: {  	s0 =	srdreg.scid  }
0x2: {  	s1 =	sshll.u32 s0, $0x4  }
0x3: {  	s6 =	rddreg [dreg:$0x0];
	s0 =	stileid.u32;
	s1 =	sand.u32 $0x10, s1  }
0x4: {  	s3 =	rddreg [dreg:$0x1];
	s1 =	sor.u32 s0, s1  }
0x5: {  	s5 =	simm.s32 $0x1;
	s31 =	simm.s32 $0x2;
	s2 =	sshll.u32 s1, $0x7  }
0x6: {  	s15 =	simm.s32 $0x0;
	s8 =	simm.s32 $0xC8000;
	s4 =	ssub.s32 $0x1000, s2  }
0x7: {  	s14 =	simm.s32 $0x0;
	s9 =	simm.s32 $0x0;
	s30 =	sand.u32 $0xF80, s4  }
0x8: {  	s10 =	simm.s32 $0x0;
	s11 =	simm.s32 $0x0;
	p0 =	sne.s32 s30, $0x0  }
.Ltmp0:
0x9: {  	s7 =	sshrl.u32 s4, $0xC;
	s5 =	simm.s32 @!p0 $0x0;
	(pc) =	sbr.rel .LBB1_1-.Ltmp0, $4  }
0xa: {  	s13 =	simm.s32 $0x0;
	s1 =	rddreg [dreg:$0x2];
	s5 =	sadd.s32 s5, s7  }
0xb: {  	_ =	strace $0x8000004A;
	s4 =	simm.s32 $0x1;
	s5 =	smul.u32 $0xC8, s5  }
0xc: {  	s6 =	sadd.s32 $0xC80800, s6;
	s12 =	smov.u32 s2;
	[sflag:s4] =	ssyncpa.u1 $0x0  }
0xd: {  	[sflag:s31] =	ssyncpa.u1 $0x0;
	p0 =	por $0x0, $0x0;
	s7 =	sor.u32 $0x1, s5  }
.LBB1_4:
0xe: {  	s20 =	sshra.s32 s20, $0x2;
	s27 =	sshll.u32 s9, $0xC  }
0xf: {  	s21 =	sand.u32 $0x78, s10;
	s22 =	sshll.u32 s10, $0x3;
	s24 =	sshll.u32 s9, $0x7  }
0x10: {  	p1 =	sgt.s32 s9, $0xC7;
	s30 =	sshra.s32 s9, $0x1F;
	s25 =	sshra.s32 s10, $0x1F  }
0x11: {  	s19 =	sadd.s32 s20, s19;
	s20 =	sand.u32 $0xFFFF8000, s27;
	s23 =	sand.u32 $0xFFFFFC00, s22  }
0x12: {  	v5 =	vld [tilespmem:s17+$0xFFFFFFD0];
	[tilespmem:s18+$0x2040 ss:$0x81] =	vst.msk $0xffff, v4;
	s22 =	sand.u32 $0xC00, s22;
	s28 =	sand.u32 $0x380, s24;
	s31 =	sand.u32 s30, s9  }
0x13: {  	v58 =	vld [tilespmem:s17+$0xFFFFFFE0];
	[tilespmem:s18+$0x2850 ss:$0x81] =	vst.msk $0xffff, v3;
	s24 =	smov.u32 s10;
	s25 =	sand.u32 s25, s10;
	s20 =	sadd.s32 s23, s20  }
0x14: {  	v59 =	vld [tilespmem:s17+$0xFFFFFFF0];
	[tilespmem:s18+$0x3060 ss:$0x81] =	vst.msk $0xffff, v2;
	s21 =	sor.u32 s21, s22;
	s22 =	smov.u32 s9;
	s20 =	sshrl.u32 s20, $0xC  }
0x15: {  	v60 =	vld [tilespmem:s17+$0x0];
	[tilespmem:s18+$0x0 ss:$0x81] =	vst.msk $0xffff, v1;
	s22 =	simm.s32 @!p1 $0xC7;
	p1 =	sgt.s32 s10, $0xF80;
	s29 =	smulhi.u32 $0x147AE15, s20  }
0x16: {  	v61 =	vld [tilespmem:s17+$0x10];
	[tilespmem:s19+$0x3870 ss:$0x81] =	vst.msk $0xffff, v0;
	s21 =	sor.u32 s28, s21;
	s18 =	ssub.s32 s22, s31;
	s24 =	simm.s32 @!p1 $0xF80  }
0x17: {  	v62 =	vld [tilespmem:s17+$0x20];
	[tilespmem:s19+$0x810 ss:$0x81] =	vst.msk $0xffff, v5;
	s22 =	ssub.s32 s24, s25;
	s26 =	ssub.s32 $0xC8, s18;
	s23 =	smul.u32 $0xC8, s29  }
0x18: {  	v63 =	vld [tilespmem:s17+$0xFFFFFFC0];
	[tilespmem:s19+$0x1020 ss:$0x81] =	vst.msk $0xffff, v58;
	s27 =	sadd.s32 $0xFFFFFF39, s18;
	s18 =	smul.u32 $0x4D, s26;
	s28 =	sadd.s32 $0xFFFFF080, s22  }
0x19: {  	[tilespmem:s19+$0x1830 ss:$0x81] =	vst.msk $0xffff, v59;
	p1 =	sgt.s32 s27, $0x0;
	s17 =	ssub.s32 $0x1000, s22;
	p2 =	sgt.s32 s28, $0x7F  }
0x1a: {  	s30 =	sand.u32 $0x7, s10;
	[tilespmem:s19+$0x2040 ss:$0x81] =	vst.msk $0xffff, v60;
	s18 =	simm.s32 @p1 $0x0;
	s17 =	simm.s32 @p2 $0x0  }
0x1b: {  	[tilespmem:s19+$0x2850 ss:$0x81] =	vst.msk $0xffff, v61;
	s29 =	sshrl.u32 s21, $0x3;
	s20 =	ssub.s32 s20, s23;
	s17 =	smul.u32 s17, s18  }
0x1c: {  	[tilespmem:s19+$0x3060 ss:$0x81] =	vst.msk $0xffff, v62;
	s21 =	sshll.u32 s30, $0x12;
	s20 =	sshll.u32 s20, $0x9;
	s18 =	sadd.s32 s3, s29  }
0x1d: {  	[tilespmem:s19+$0x0 ss:$0x81] =	vst.msk $0xffff, v63;
	s31 =	sor.u32 $0x80, s21;
	s18 =	sadd.s32 s20, s18;
	s17 =	sand.u32 $0x3FFFFFFF, s17  }
0x1e: {  	[hbm4b:s18+s31] =	stream.strided.scatter [tilespmem:s16], [sflag:$0x2], s17, s8, s31, $0x20;
	[tilespmem:$0x10100] =	vst v63  }
.LBB1_5:
0x1f: {  	p1 =	slt.u32 s13, $0x2  }
0x20: {  	s17 =	smov.u32 s15;
	p2 =	sgt.s32 @!p1 s15, $0xC7;
	s16 =	sshra.s32 @!p1 s15, $0x1F  }
0x21: {  	p3 =	sgt.s32 @!p1 s14, $0xF80;
	s18 =	sshra.s32 @!p1 s14, $0x1F;
	p2 =	por !p2, p1  }
0x22: {  	s15 =	sand.u32 @!p1 s16, s15;
	p3 =	por !p3, p1;
	s16 =	smov.u32 s14  }
0x23: {  	s14 =	sand.u32 @!p1 s18, s14;
	s17 =	simm.s32 @p2 $0xC7;
	s16 =	simm.s32 @p3 $0xF80  }
0x24: {  	s18 =	smov.u32 s12;
	s15 =	ssub.s32 @!p1 s17, s15;
	s14 =	ssub.s32 @!p1 s16, s14  }
0x25: {  	s16 =	sadd.s32 @!p1 $0xFFFFFF39, s15;
	s15 =	ssub.s32 @!p1 $0xC8, s15;
	s17 =	sadd.s32 @!p1 $0xFFFFF080, s14  }
0x26: {  	p2 =	sgt.s32 @!p1 s16, $0x0;
	s15 =	smul.u32 @!p1 $0x4D, s15;
	p3 =	sgt.s32 @!p1 s17, $0x7F  }
0x27: {  	s14 =	ssub.s32 @!p1 $0x1000, s14;
	p2 =	por !p2, p1;
	p3 =	por !p3, p1  }
0x28: {  	s16 =	sadd.s32 $0x1, s11;
	s15 =	simm.s32 @!p2 $0x0;
	s14 =	simm.s32 @!p3 $0x0  }
0x29: {  	p2 =	sgt.s32 s16, $0xC7;
	s14 =	smul.u32 @!p1 s14, s15;
	s15 =	sadd.s32 $0x1000, s12  }
0x2a: {  	s18 =	smov.u32 @p2 s15  }
0x2b: {  	s16 =	simm.s32 @p2 $0x0;
	p2 =	sgt.s32 s18, $0xFFF  }
0x2c: {  	s18 =	smov.u32 @p2 s2;
	p2 =	sne.s32 s13, s7  }
.Ltmp1:
0x2d: {  	p0 =	por !p0, !p0;
	s17 =	simm.s32 @!p1 $0x2;
	(pc) =	sbr.rel @!p2 .LBB1_6-.Ltmp1, $4  }
0x2e: {  	s15 =	smov.u32 s9;
	s9 =	smov.u32 s11;
	s14 =	sand.u32 @!p1 $0x3FFFFFFF, s14  }
0x2f: {  	s11 =	smov.u32 s16;
	_ =	swait.ge @!p1 [sflag:s17], s14;
	s19 =	ssub.s32 @!p1 $0x0, s14  }
0x30: {  	s14 =	smov.u32 s10;
	s13 =	sadd.s32 $0x1, s13;
	[sflag:s17] =	ssyncset.done @!p1 $0x0  }
0x31: {  	s10 =	smov.u32 s12;
	s12 =	smov.u32 s18;
	[sflag:s17] =	ssyncadd.s32 @!p1 s19  }
.LBB1_1:
0x32: {  	p1 =	sge.u32 s13, s5  }
0x33: {  	s16 =	sand.u32 @!p1 $0x1FFFFFF, s11  }
0x34: {  	s17 =	smulhi.u32 @!p1 $0x147AE15, s16;
	_ =	sdelay $0x1  }
0x35: {  	s17 =	smul.u32 @!p1 $0xC8, s17  }
0x36: {  	s18 =	sxor.u32 @!p1 $0xFFFFFFFF, s13;
	s19 =	smul.u32 @!p1 $0xC80, s12  }
0x37: {  	s31 =	sadd.s32 $0xFFFFFFFF, s13;
	s18 =	sshll.u32 @!p1 s18, $0xE;
	s16 =	ssub.s32 @!p1 s16, s17  }
0x38: {  	s17 =	sand.u32 @!p1 $0x4000, s18;
	s18 =	sadd.s32 @!p1 s6, s19;
	s16 =	sshll.u32 @!p1 s16, $0x4  }
0x39: {  	s19 =	simm.s32 @!p1 $0x6400;
	s16 =	sadd.s32 @!p1 s16, s18;
	s18 =	simm.s32 @!p1 $0x80  }
0x3a: {  	[tilespmem:s17], [sflag:$0x1] =	stream.strided.gather @!p1 [hbm4b:s16+s18], $0x4000, s19, s18, $0x38;
	[tilespmem:$0x10100] =	vst v63  }
0x3b: {  	p1 =	sge.u32 s31, s5  }
.Ltmp2:
0x3c: {  	_ = 	snop;
	(pc) =	sbr.rel @p1 .LBB1_5-.Ltmp2, $1  }
0x3d: {  	_ =	sdelay $0x3  }
0x3e: {  	s16 =	simm.s32 $0x1  }
0x3f: {  	_ =	swait.ge [sflag:s4], $0x4000;
	s16 =	simm.s32 @!p0 $0x0  }
0x40: {  	[sflag:s4] =	ssyncset.done $0x0;
	s17 =	sshll.u32 s16, $0xE  }
0x41: {  	[sflag:s4] =	ssyncadd.s32 $0xFFFFC000;
	s17 =	sor.u32 $0x40, s17  }
0x42: {  	s16 =	smul.u32 $0x10200, s16;
	v0 =	vld [tilespmem:s17+$0x30]  }
0x43: {  	v1 =	vld [tilespmem:s17+$0xFFFFFFD0]  }
0x44: {  	s16 =	sshrl.u32 s16, $0x2;
	v5 =	vld [tilespmem:s17+$0xFFFFFFE0]  }
0x45: {  	v6 =	vld [tilespmem:s17+$0xFFFFFFF0];
	s19 =	sor.u32 $0x8000, s16  }
0x46: {  	s31 =	sand.u32 $0x1, s13;
	v4 =	vld [tilespmem:s17+$0x0];
	s18 =	sadd.s32 $0x0, s19  }
0x47: {  	v3 =	vld [tilespmem:s17+$0x10];
	s16 =	smul.u32 $0x10200, s31;
	[tilespmem:s18+$0x3870 ss:$0x81] =	vst.msk $0xffff, v0  }
0x48: {  	v2 =	vld [tilespmem:s17+$0x20];
	[tilespmem:s18+$0x810 ss:$0x81] =	vst.msk $0xffff, v1  }
0x49: {  	s16 =	sshrl.u32 s16, $0x2;
	v1 =	vld [tilespmem:s17+$0xFFFFFFC0];
	[tilespmem:s18+$0x1020 ss:$0x81] =	vst.msk $0xffff, v5;
	s17 =	sadd.s32 $0x80, s17  }
0x4a: {  	s20 =	simm.s32 $0x4;
	s21 =	simm.s32 $0x8;
	s16 =	sor.u32 $0x8000, s16;
	[tilespmem:s18+$0x1830 ss:$0x81] =	vst.msk $0xffff, v6;
	v0 =	vld [tilespmem:s17+$0x30]  }
.LBB1_3:
0x4b: {  	p1 =	sne.s32 s21, $0x1FC;
	v5 =	vld [tilespmem:s17+$0xFFFFFFD0];
	[tilespmem:s18+$0x2040 ss:$0x81] =	vst.msk $0xffff, v4  }
0x4c: {  	v6 =	vld [tilespmem:s17+$0xFFFFFFE0];
	[tilespmem:s18+$0x2850 ss:$0x81] =	vst.msk $0xffff, v3  }
0x4d: {  	s22 =	sshra.s32 s20, $0x2;
	s20 =	smov.u32 s21;
	v7 =	vld [tilespmem:s17+$0xFFFFFFF0];
	[tilespmem:s18+$0x3060 ss:$0x81] =	vst.msk $0xffff, v2  }
.Ltmp3:
0x4e: {  	v4 =	vld [tilespmem:s17+$0x0];
	[tilespmem:s18+$0x0 ss:$0x81] =	vst.msk $0xffff, v1;
	s18 =	sadd.s32 s22, s19;
	(pc) =	sbr.rel @p1 .LBB1_3-.Ltmp3, $4  }
0x4f: {  	v3 =	vld [tilespmem:s17+$0x10];
	[tilespmem:s18+$0x3870 ss:$0x81] =	vst.msk $0xffff, v0  }
0x50: {  	[tilespmem:s18+$0x810 ss:$0x81] =	vst.msk $0xffff, v5;
	v2 =	vld [tilespmem:s17+$0x20]  }
0x51: {  	v1 =	vld [tilespmem:s17+$0xFFFFFFC0];
	[tilespmem:s18+$0x1020 ss:$0x81] =	vst.msk $0xffff, v6;
	s17 =	sadd.s32 $0x80, s17  }
0x52: {  	s21 =	sadd.s32 $0x4, s21;
	v0 =	vld [tilespmem:s17+$0x30];
	[tilespmem:s18+$0x1830 ss:$0x81] =	vst.msk $0xffff, v7  }
.Ltmp4:
0x53: {  	_ = 	snop;
	(pc) =	sbr.rel .LBB1_4-.Ltmp4, $1  }
0x54: {  	_ =	sdelay $0x3  }
.LBB1_6:
0x55: {  	_ =	sfence.sel $0x180000  }
0x56: {  	s2 =	simm.s32 $0x1;
	[bflag:$0x0] =	sbarrier.arrive $0xFFFF  }
0x57: {  	s31 =	simm.s32 $0x2;
	[sflag:s2] =	ssyncpa.u1 $0x1  }
0x58: {  	[sflag:s31] =	ssyncpa.u1 $0x1  }
0x59: {  	p0 =	sne.s32 s0, $0x0;
	_ =	strace $0x9000004A  }
0x5a: {  	s0 =	sadd.s32 @!p0 $0x100000, s1;
	[bflag:$0x2] =	sbarrier.arrive $0xFFFF  }
0x5b: {  	[sflag:s0] =	ssyncadd.tile.s32 @!p0 $0x1;
	_ =	shalt  }
.Lfunc_end1:
_tile_overlayer_lowered:
.L_overlay_start_2:
0x5c: {  	(tag) =	ssettag $0x2  }
0x5d: {  	s0 =	rddreg [dreg:$0x0];
	s2 =	stileid.u32  }
0x5e: {  	s1 =	rddreg [dreg:$0x1];
	p0 =	sne.s32 s2, $0x0  }
0x5f: {  	s3 =	rddreg [dreg:$0x2];
	[bflag:$0x3] =	sbarrier.arrive $0xFFFF;
	s2 =	simm.s32 @!p0 $0x1C01  }
0x60: {  	[timem:s3], [sflag:s2] =	dma.local @!p0 [hbm:s0], s1  }
0x61: {  	s0 =	simm.s32 @!p0 $0x1  }
0x62: {  	_ =	swait.ge @!p0 [sflag:s0], s1  }
0x63: {  	s1 =	ssub.s32 @!p0 $0x0, s1;
	[sflag:s0] =	ssyncset.done @!p0 $0x0  }
0x64: {  	[sflag:s0] =	ssyncadd.s32 @!p0 s1  }
0x65: {  	[bflag:$0x3] =	sbarrier.arrive $0xFFFF  }
0x66: {  	_ =	shalt  }

</sc_bundles>
